<compile_context>
chip_gen: v7x
topology: tpu7x:2x2x1
jax: 0.10.2.dev20260603
libtpu: 0.0.44.dev20260713+nightly
codegen_flags: <defaults>
</compile_context>

<pallas_src>
import jax
import jax.numpy as jnp
from jax import lax
from jax.experimental import pallas as pl
from jax.experimental.pallas import tpu as pltpu
from jax.experimental.pallas import tpu_sc as plsc

NUM_CORES = 2
NUM_SUBCORES = 16
NUM_WORKERS = NUM_CORES * NUM_SUBCORES

NB = 4


def _make_mesh():
    return plsc.VectorSubcoreMesh(
        core_axis_name="c", subcore_axis_name="s",
        num_cores=NUM_CORES, num_subcores=NUM_SUBCORES)


def _gather(fmt, idx, BATCH, HIST, D):
    batches_per_w = BATCH // NUM_WORKERS
    n_stages = batches_per_w // NB
    assert BATCH % NUM_WORKERS == 0 and batches_per_w % NB == 0
    assert n_stages % 2 == 0

    @pl.kernel(
        mesh=_make_mesh(),
        compiler_params=pltpu.CompilerParams(use_tc_tiling_on_sc=True),
        out_type=jax.ShapeDtypeStruct((BATCH, HIST, D), jnp.float32),
        scratch_types=[
            pltpu.VMEM((batches_per_w, HIST), jnp.int32),
            pltpu.VMEM((NB, HIST, 2 * D), jnp.float32),
            pltpu.VMEM((NB, HIST, 2 * D), jnp.float32),
            pltpu.VMEM((NB, HIST, D), jnp.float32),
            pltpu.SemaphoreType.DMA,
            pltpu.SemaphoreType.DMA,
        ],
    )
    def k2(fmt_hbm, idx_hbm, out_hbm, idx_v, buf0, buf1, obuf, sem0, sem1):
        wid = lax.axis_index("s") * NUM_CORES + lax.axis_index("c")
        base = wid * batches_per_w
        pltpu.sync_copy(idx_hbm.at[pl.ds(base, batches_per_w)], idx_v)

        def fire(st, buf, sem):
            for b in range(NB):
                pltpu.async_copy(
                    fmt_hbm.at[idx_v.at[st * NB + b]], buf.at[b], sem)

        def drain_out(st, buf, sem):
            for b in range(NB):
                pltpu.make_async_copy(
                    fmt_hbm.at[idx_v.at[st * NB + b]], buf.at[b], sem).wait()
            for b in range(NB):
                def row(h, carry):
                    for j in range(D // 16):
                        obuf[b, h, pl.ds(16 * j, 16)] = \
                            buf[b, h, pl.ds(16 * j, 16)]
                    return carry
                lax.fori_loop(0, HIST, row, 0)
            pltpu.sync_copy(obuf, out_hbm.at[pl.ds(base + st * NB, NB)])

        fire(0, buf0, sem0)

        def body(i, carry):
            s0 = 2 * i
            fire(s0 + 1, buf1, sem1)
            drain_out(s0, buf0, sem0)

            @pl.when(s0 + 2 < n_stages)
            def _():
                fire(s0 + 2, buf0, sem0)

            drain_out(s0 + 1, buf1, sem1)
            return carry

        lax.fori_loop(0, n_stages // 2, body, 0)

    return k2(fmt, idx)


def kernel(inputs, embedding):
    batch, hist = inputs.shape
    num_emb, feat = embedding.shape
    emb = jnp.asarray(embedding, jnp.float32)
    fmt = jnp.pad(emb, ((0, 0), (0, feat)))
    return _gather(fmt, inputs.astype(jnp.int32), batch, hist, feat)

# --- scband reference (transcript-rebuilt; emitter-appended) ---
"""Pipeline reference for scband-embed-22428319220374 (READ-ONLY COPY).

The authoritative reference and input builder live on the scoring server;
editing this copy changes nothing except your own understanding.
"""

import jax, jax.numpy as jnp
import numpy as np

NUM_EMBEDDINGS = 1000000
FEATURES = 64
BATCH = 4096
HIST = 50


def setup_inputs(seed: int = 0) -> dict:
    key = jax.random.key(seed)
    k_idx, k_emb = jax.random.split(key)
    inputs = jax.random.randint(k_idx, (BATCH, HIST), 0, NUM_EMBEDDINGS, dtype=jnp.int32)
    # default_embed_init is variance_scaling(1.0, 'fan_in', 'normal', out_axis=0)
    # fan_in for embedding shape (N, F) along out_axis=0 -> fan_in = FEATURES
    stddev = 1.0 / np.sqrt(FEATURES)
    embedding = jax.random.normal(k_emb, (NUM_EMBEDDINGS, FEATURES), dtype=jnp.float32) * stddev
    return {"inputs": inputs, "embedding": embedding}


def reference(inputs, embedding):
    # Embed.__call__ with spmd_enabled=False: plain gather along rows.
    if not jnp.issubdtype(inputs.dtype, jnp.integer):
        raise ValueError('Input type must be an integer or unsigned integer.')
    emb = jnp.asarray(embedding, jnp.float32)
    output = jnp.take(emb, inputs, axis=0)
    return output

if __name__ == "__main__":
    import jax
    _d = setup_inputs()
    print(jax.jit(kernel)(*tuple(_d.values())))

</pallas_src>

<mosaic_0001>
#map = affine_map<(d0, d1) -> (0, 0)>
#map1 = affine_map<(d0, d1) -> (0, 0, 0)>
module attributes {stable_mosaic.version = 14 : i64} {
  func.func @k2(%arg0: i32, %arg1: i32, %arg2: memref<1000000x128xf32, #tpu.memory_space<hbm>>, %arg3: memref<4096x50xi32, #tpu.memory_space<hbm>>, %arg4: memref<4096x50x64xf32, #tpu.memory_space<hbm>>, %arg5: memref<128x50xi32, #tpu.memory_space<vmem>>, %arg6: memref<4x50x128xf32, #tpu.memory_space<vmem>>, %arg7: memref<4x50x128xf32, #tpu.memory_space<vmem>>, %arg8: memref<4x50x64xf32, #tpu.memory_space<vmem>>, %arg9: memref<!tpu.dma_semaphore, #tpu.memory_space<semaphore_mem>>, %arg10: memref<!tpu.dma_semaphore, #tpu.memory_space<semaphore_mem>>) attributes {dimension_semantics = [#tpu.dimension_semantics<core_parallel>, #tpu.dimension_semantics<subcore_parallel>], iteration_bounds = array<i64: 2, 16>, scalar_prefetch = 0 : i64, scratch_operands = 6 : i64, tpu.core_type = #tpu.core_type<sc_vector_subcore>, window_params = [{transform_indices = #map}, {transform_indices = #map}, {transform_indices = #map1}]} {
    %mul3A = arith.constant 2 : i32
    %mul3A_0 = arith.muli %arg1, %mul3A : i32
    %add3A = arith.addi %mul3A_0, %arg0 : i32
    %mul3A_1 = arith.constant 128 : i32
    %mul3A_2 = arith.muli %add3A, %mul3A_1 : i32
    "tpu.region"() ({
      %run_scoped3A = tpu.sem_alloc : memref<!tpu.dma_semaphore, #tpu.memory_space<semaphore_mem>>
      %dma_start3A_55 = arith.constant 0 : i32
      %dma_start3A_56 = tpu.memref_slice %arg3[%mul3A_2, %dma_start3A_55] : memref<4096x50xi32, #tpu.memory_space<hbm>> -> memref<128x50xi32, #tpu.memory_space<hbm>>
      %dma_start3A_57 = arith.constant 0 : i32
      %dma_start3A_58 = tpu.memref_slice %arg3[%mul3A_2, %dma_start3A_57] : memref<4096x50xi32, #tpu.memory_space<hbm>> -> memref<128x50xi32, #tpu.memory_space<hbm>>
      tpu.enqueue_dma source(%dma_start3A_58 : memref<128x50xi32, #tpu.memory_space<hbm>>) target(%arg5 : memref<128x50xi32, #tpu.memory_space<vmem>>) target_semaphore(%run_scoped3A : memref<!tpu.dma_semaphore, #tpu.memory_space<semaphore_mem>>)
      %dma_wait3A = arith.constant 0 : i32
      %dma_wait3A_59 = tpu.memref_slice %arg3[%mul3A_2, %dma_wait3A] : memref<4096x50xi32, #tpu.memory_space<hbm>> -> memref<128x50xi32, #tpu.memory_space<hbm>>
      %dma_wait3A_60 = arith.constant 0 : i32
      %dma_wait3A_61 = tpu.memref_slice %arg3[%mul3A_2, %dma_wait3A_60] : memref<4096x50xi32, #tpu.memory_space<hbm>> -> memref<128x50xi32, #tpu.memory_space<hbm>>
      tpu.wait_dma2 semaphore(%run_scoped3A : memref<!tpu.dma_semaphore, #tpu.memory_space<semaphore_mem>>) src(%dma_wait3A_61 : memref<128x50xi32, #tpu.memory_space<hbm>>) dst(%arg5 : memref<128x50xi32, #tpu.memory_space<vmem>>)
      tpu.yield
    }) : () -> ()
    %dma_start3A = arith.constant 0 : i32
    %dma_start3A_3 = arith.constant 0 : i32
    %dma_start3A_4 = arith.constant 0 : i32
    %dma_start3A_5 = arith.constant 0 : i32
    %dma_start3A_6 = tpu.memref_slice %arg6[%dma_start3A_3, %dma_start3A_4, %dma_start3A_5] : memref<4x50x128xf32, #tpu.memory_space<vmem>> -> memref<1x50x128xf32, #tpu.memory_space<vmem>>
    %dma_start3A_7 = tpu.memref_squeeze %dma_start3A_6 : memref<1x50x128xf32, #tpu.memory_space<vmem>> -> memref<50x128xf32, #tpu.memory_space<vmem>>
    %dma_start3A_8 = arith.constant 0 : i32
    %dma_start3A_9 = tpu.memref_slice %arg5[%dma_start3A, %dma_start3A_8] : memref<128x50xi32, #tpu.memory_space<vmem>> -> memref<1x50xi32, #tpu.memory_space<vmem>>
    %dma_start3A_10 = tpu.memref_squeeze %dma_start3A_9 : memref<1x50xi32, #tpu.memory_space<vmem>> -> memref<50xi32, #tpu.memory_space<vmem>>
    %dma_start3A_11 = arith.constant 0 : i32
    %dma_start3A_12 = arith.constant 0 : i32
    %dma_start3A_13 = tpu.memref_slice %arg2[%dma_start3A_11, %dma_start3A_12] : memref<1000000x128xf32, #tpu.memory_space<hbm>> -> memref<1000000x128xf32, #tpu.memory_space<hbm>>
    tpu.enqueue_indirect_dma source(%dma_start3A_13 : memref<1000000x128xf32, #tpu.memory_space<hbm>>) target(%dma_start3A_7 : memref<50x128xf32, #tpu.memory_space<vmem>>) offsets(%dma_start3A_10 : memref<50xi32, #tpu.memory_space<vmem>>) semaphore(%arg9 : memref<!tpu.dma_semaphore, #tpu.memory_space<semaphore_mem>>)
    %dma_start3A_14 = arith.constant 1 : i32
    %dma_start3A_15 = arith.constant 1 : i32
    %dma_start3A_16 = arith.constant 0 : i32
    %dma_start3A_17 = arith.constant 0 : i32
    %dma_start3A_18 = tpu.memref_slice %arg6[%dma_start3A_15, %dma_start3A_16, %dma_start3A_17] : memref<4x50x128xf32, #tpu.memory_space<vmem>> -> memref<1x50x128xf32, #tpu.memory_space<vmem>>
    %dma_start3A_19 = tpu.memref_squeeze %dma_start3A_18 : memref<1x50x128xf32, #tpu.memory_space<vmem>> -> memref<50x128xf32, #tpu.memory_space<vmem>>
    %dma_start3A_20 = arith.constant 0 : i32
    %dma_start3A_21 = tpu.memref_slice %arg5[%dma_start3A_14, %dma_start3A_20] : memref<128x50xi32, #tpu.memory_space<vmem>> -> memref<1x50xi32, #tpu.memory_space<vmem>>
    %dma_start3A_22 = tpu.memref_squeeze %dma_start3A_21 : memref<1x50xi32, #tpu.memory_space<vmem>> -> memref<50xi32, #tpu.memory_space<vmem>>
    %dma_start3A_23 = arith.constant 0 : i32
    %dma_start3A_24 = arith.constant 0 : i32
    %dma_start3A_25 = tpu.memref_slice %arg2[%dma_start3A_23, %dma_start3A_24] : memref<1000000x128xf32, #tpu.memory_space<hbm>> -> memref<1000000x128xf32, #tpu.memory_space<hbm>>
    tpu.enqueue_indirect_dma source(%dma_start3A_25 : memref<1000000x128xf32, #tpu.memory_space<hbm>>) target(%dma_start3A_19 : memref<50x128xf32, #tpu.memory_space<vmem>>) offsets(%dma_start3A_22 : memref<50xi32, #tpu.memory_space<vmem>>) semaphore(%arg9 : memref<!tpu.dma_semaphore, #tpu.memory_space<semaphore_mem>>)
    %dma_start3A_26 = arith.constant 2 : i32
    %dma_start3A_27 = arith.constant 2 : i32
    %dma_start3A_28 = arith.constant 0 : i32
    %dma_start3A_29 = arith.constant 0 : i32
    %dma_start3A_30 = tpu.memref_slice %arg6[%dma_start3A_27, %dma_start3A_28, %dma_start3A_29] : memref<4x50x128xf32, #tpu.memory_space<vmem>> -> memref<1x50x128xf32, #tpu.memory_space<vmem>>
    %dma_start3A_31 = tpu.memref_squeeze %dma_start3A_30 : memref<1x50x128xf32, #tpu.memory_space<vmem>> -> memref<50x128xf32, #tpu.memory_space<vmem>>
    %dma_start3A_32 = arith.constant 0 : i32
    %dma_start3A_33 = tpu.memref_slice %arg5[%dma_start3A_26, %dma_start3A_32] : memref<128x50xi32, #tpu.memory_space<vmem>> -> memref<1x50xi32, #tpu.memory_space<vmem>>
    %dma_start3A_34 = tpu.memref_squeeze %dma_start3A_33 : memref<1x50xi32, #tpu.memory_space<vmem>> -> memref<50xi32, #tpu.memory_space<vmem>>
    %dma_start3A_35 = arith.constant 0 : i32
    %dma_start3A_36 = arith.constant 0 : i32
    %dma_start3A_37 = tpu.memref_slice %arg2[%dma_start3A_35, %dma_start3A_36] : memref<1000000x128xf32, #tpu.memory_space<hbm>> -> memref<1000000x128xf32, #tpu.memory_space<hbm>>
    tpu.enqueue_indirect_dma source(%dma_start3A_37 : memref<1000000x128xf32, #tpu.memory_space<hbm>>) target(%dma_start3A_31 : memref<50x128xf32, #tpu.memory_space<vmem>>) offsets(%dma_start3A_34 : memref<50xi32, #tpu.memory_space<vmem>>) semaphore(%arg9 : memref<!tpu.dma_semaphore, #tpu.memory_space<semaphore_mem>>)
    %dma_start3A_38 = arith.constant 3 : i32
    %dma_start3A_39 = arith.constant 3 : i32
    %dma_start3A_40 = arith.constant 0 : i32
    %dma_start3A_41 = arith.constant 0 : i32
    %dma_start3A_42 = tpu.memref_slice %arg6[%dma_start3A_39, %dma_start3A_40, %dma_start3A_41] : memref<4x50x128xf32, #tpu.memory_space<vmem>> -> memref<1x50x128xf32, #tpu.memory_space<vmem>>
    %dma_start3A_43 = tpu.memref_squeeze %dma_start3A_42 : memref<1x50x128xf32, #tpu.memory_space<vmem>> -> memref<50x128xf32, #tpu.memory_space<vmem>>
    %dma_start3A_44 = arith.constant 0 : i32
    %dma_start3A_45 = tpu.memref_slice %arg5[%dma_start3A_38, %dma_start3A_44] : memref<128x50xi32, #tpu.memory_space<vmem>> -> memref<1x50xi32, #tpu.memory_space<vmem>>
    %dma_start3A_46 = tpu.memref_squeeze %dma_start3A_45 : memref<1x50xi32, #tpu.memory_space<vmem>> -> memref<50xi32, #tpu.memory_space<vmem>>
    %dma_start3A_47 = arith.constant 0 : i32
    %dma_start3A_48 = arith.constant 0 : i32
    %dma_start3A_49 = tpu.memref_slice %arg2[%dma_start3A_47, %dma_start3A_48] : memref<1000000x128xf32, #tpu.memory_space<hbm>> -> memref<1000000x128xf32, #tpu.memory_space<hbm>>
    tpu.enqueue_indirect_dma source(%dma_start3A_49 : memref<1000000x128xf32, #tpu.memory_space<hbm>>) target(%dma_start3A_43 : memref<50x128xf32, #tpu.memory_space<vmem>>) offsets(%dma_start3A_46 : memref<50xi32, #tpu.memory_space<vmem>>) semaphore(%arg9 : memref<!tpu.dma_semaphore, #tpu.memory_space<semaphore_mem>>)
    %scan3A = arith.constant 0 : i32
    %scan3A_50 = arith.constant 0 : i32
    %scan3A_51 = arith.constant 16 : i32
    %scan3A_52 = arith.addi %scan3A_50, %scan3A_51 : i32
    %scan3A_53 = arith.constant 1 : i32
    scf.for %scan3A_55 = %scan3A_50 to %scan3A_52 step %scan3A_53  : i32 {
      %mul3A_56 = arith.constant 2 : i32
      %mul3A_57 = arith.muli %mul3A_56, %scan3A_55 : i32
      %add3A_58 = arith.constant 1 : i32
      %add3A_59 = arith.addi %mul3A_57, %add3A_58 : i32
      %mul3A_60 = arith.constant 4 : i32
      %mul3A_61 = arith.muli %add3A_59, %mul3A_60 : i32
      %add3A_62 = arith.constant 0 : i32
      %add3A_63 = arith.addi %mul3A_61, %add3A_62 : i32
      %dma_start3A_64 = arith.constant 0 : i32
      %dma_start3A_65 = arith.constant 0 : i32
      %dma_start3A_66 = arith.constant 0 : i32
      %dma_start3A_67 = tpu.memref_slice %arg7[%dma_start3A_64, %dma_start3A_65, %dma_start3A_66] : memref<4x50x128xf32, #tpu.memory_space<vmem>> -> memref<1x50x128xf32, #tpu.memory_space<vmem>>
      %dma_start3A_68 = tpu.memref_squeeze %dma_start3A_67 : memref<1x50x128xf32, #tpu.memory_space<vmem>> -> memref<50x128xf32, #tpu.memory_space<vmem>>
      %dma_start3A_69 = arith.constant 0 : i32
      %dma_start3A_70 = tpu.memref_slice %arg5[%add3A_63, %dma_start3A_69] : memref<128x50xi32, #tpu.memory_space<vmem>> -> memref<1x50xi32, #tpu.memory_space<vmem>>
      %dma_start3A_71 = tpu.memref_squeeze %dma_start3A_70 : memref<1x50xi32, #tpu.memory_space<vmem>> -> memref<50xi32, #tpu.memory_space<vmem>>
      %dma_start3A_72 = arith.constant 0 : i32
      %dma_start3A_73 = arith.constant 0 : i32
      %dma_start3A_74 = tpu.memref_slice %arg2[%dma_start3A_72, %dma_start3A_73] : memref<1000000x128xf32, #tpu.memory_space<hbm>> -> memref<1000000x128xf32, #tpu.memory_space<hbm>>
      tpu.enqueue_indirect_dma source(%dma_start3A_74 : memref<1000000x128xf32, #tpu.memory_space<hbm>>) target(%dma_start3A_68 : memref<50x128xf32, #tpu.memory_space<vmem>>) offsets(%dma_start3A_71 : memref<50xi32, #tpu.memory_space<vmem>>) semaphore(%arg10 : memref<!tpu.dma_semaphore, #tpu.memory_space<semaphore_mem>>)
      %mul3A_75 = arith.constant 4 : i32
      %mul3A_76 = arith.muli %add3A_59, %mul3A_75 : i32
      %add3A_77 = arith.constant 1 : i32
      %add3A_78 = arith.addi %mul3A_76, %add3A_77 : i32
      %dma_start3A_79 = arith.constant 1 : i32
      %dma_start3A_80 = arith.constant 0 : i32
      %dma_start3A_81 = arith.constant 0 : i32
      %dma_start3A_82 = tpu.memref_slice %arg7[%dma_start3A_79, %dma_start3A_80, %dma_start3A_81] : memref<4x50x128xf32, #tpu.memory_space<vmem>> -> memref<1x50x128xf32, #tpu.memory_space<vmem>>
      %dma_start3A_83 = tpu.memref_squeeze %dma_start3A_82 : memref<1x50x128xf32, #tpu.memory_space<vmem>> -> memref<50x128xf32, #tpu.memory_space<vmem>>
      %dma_start3A_84 = arith.constant 0 : i32
      %dma_start3A_85 = tpu.memref_slice %arg5[%add3A_78, %dma_start3A_84] : memref<128x50xi32, #tpu.memory_space<vmem>> -> memref<1x50xi32, #tpu.memory_space<vmem>>
      %dma_start3A_86 = tpu.memref_squeeze %dma_start3A_85 : memref<1x50xi32, #tpu.memory_space<vmem>> -> memref<50xi32, #tpu.memory_space<vmem>>
      %dma_start3A_87 = arith.constant 0 : i32
      %dma_start3A_88 = arith.constant 0 : i32
      %dma_start3A_89 = tpu.memref_slice %arg2[%dma_start3A_87, %dma_start3A_88] : memref<1000000x128xf32, #tpu.memory_space<hbm>> -> memref<1000000x128xf32, #tpu.memory_space<hbm>>
      tpu.enqueue_indirect_dma source(%dma_start3A_89 : memref<1000000x128xf32, #tpu.memory_space<hbm>>) target(%dma_start3A_83 : memref<50x128xf32, #tpu.memory_space<vmem>>) offsets(%dma_start3A_86 : memref<50xi32, #tpu.memory_space<vmem>>) semaphore(%arg10 : memref<!tpu.dma_semaphore, #tpu.memory_space<semaphore_mem>>)
      %mul3A_90 = arith.constant 4 : i32
      %mul3A_91 = arith.muli %add3A_59, %mul3A_90 : i32
      %add3A_92 = arith.constant 2 : i32
      %add3A_93 = arith.addi %mul3A_91, %add3A_92 : i32
      %dma_start3A_94 = arith.constant 2 : i32
      %dma_start3A_95 = arith.constant 0 : i32
      %dma_start3A_96 = arith.constant 0 : i32
      %dma_start3A_97 = tpu.memref_slice %arg7[%dma_start3A_94, %dma_start3A_95, %dma_start3A_96] : memref<4x50x128xf32, #tpu.memory_space<vmem>> -> memref<1x50x128xf32, #tpu.memory_space<vmem>>
      %dma_start3A_98 = tpu.memref_squeeze %dma_start3A_97 : memref<1x50x128xf32, #tpu.memory_space<vmem>> -> memref<50x128xf32, #tpu.memory_space<vmem>>
      %dma_start3A_99 = arith.constant 0 : i32
      %dma_start3A_100 = tpu.memref_slice %arg5[%add3A_93, %dma_start3A_99] : memref<128x50xi32, #tpu.memory_space<vmem>> -> memref<1x50xi32, #tpu.memory_space<vmem>>
      %dma_start3A_101 = tpu.memref_squeeze %dma_start3A_100 : memref<1x50xi32, #tpu.memory_space<vmem>> -> memref<50xi32, #tpu.memory_space<vmem>>
      %dma_start3A_102 = arith.constant 0 : i32
      %dma_start3A_103 = arith.constant 0 : i32
      %dma_start3A_104 = tpu.memref_slice %arg2[%dma_start3A_102, %dma_start3A_103] : memref<1000000x128xf32, #tpu.memory_space<hbm>> -> memref<1000000x128xf32, #tpu.memory_space<hbm>>
      tpu.enqueue_indirect_dma source(%dma_start3A_104 : memref<1000000x128xf32, #tpu.memory_space<hbm>>) target(%dma_start3A_98 : memref<50x128xf32, #tpu.memory_space<vmem>>) offsets(%dma_start3A_101 : memref<50xi32, #tpu.memory_space<vmem>>) semaphore(%arg10 : memref<!tpu.dma_semaphore, #tpu.memory_space<semaphore_mem>>)
      %mul3A_105 = arith.constant 4 : i32
      %mul3A_106 = arith.muli %add3A_59, %mul3A_105 : i32
      %add3A_107 = arith.constant 3 : i32
      %add3A_108 = arith.addi %mul3A_106, %add3A_107 : i32
      %dma_start3A_109 = arith.constant 3 : i32
      %dma_start3A_110 = arith.constant 0 : i32
      %dma_start3A_111 = arith.constant 0 : i32
      %dma_start3A_112 = tpu.memref_slice %arg7[%dma_start3A_109, %dma_start3A_110, %dma_start3A_111] : memref<4x50x128xf32, #tpu.memory_space<vmem>> -> memref<1x50x128xf32, #tpu.memory_space<vmem>>
      %dma_start3A_113 = tpu.memref_squeeze %dma_start3A_112 : memref<1x50x128xf32, #tpu.memory_space<vmem>> -> memref<50x128xf32, #tpu.memory_space<vmem>>
      %dma_start3A_114 = arith.constant 0 : i32
      %dma_start3A_115 = tpu.memref_slice %arg5[%add3A_108, %dma_start3A_114] : memref<128x50xi32, #tpu.memory_space<vmem>> -> memref<1x50xi32, #tpu.memory_space<vmem>>
      %dma_start3A_116 = tpu.memref_squeeze %dma_start3A_115 : memref<1x50xi32, #tpu.memory_space<vmem>> -> memref<50xi32, #tpu.memory_space<vmem>>
      %dma_start3A_117 = arith.constant 0 : i32
      %dma_start3A_118 = arith.constant 0 : i32
      %dma_start3A_119 = tpu.memref_slice %arg2[%dma_start3A_117, %dma_start3A_118] : memref<1000000x128xf32, #tpu.memory_space<hbm>> -> memref<1000000x128xf32, #tpu.memory_space<hbm>>
      tpu.enqueue_indirect_dma source(%dma_start3A_119 : memref<1000000x128xf32, #tpu.memory_space<hbm>>) target(%dma_start3A_113 : memref<50x128xf32, #tpu.memory_space<vmem>>) offsets(%dma_start3A_116 : memref<50xi32, #tpu.memory_space<vmem>>) semaphore(%arg10 : memref<!tpu.dma_semaphore, #tpu.memory_space<semaphore_mem>>)
      %mul3A_120 = arith.constant 4 : i32
      %mul3A_121 = arith.muli %mul3A_57, %mul3A_120 : i32
      %add3A_122 = arith.constant 0 : i32
      %add3A_123 = arith.addi %mul3A_121, %add3A_122 : i32
      %dma_wait3A = arith.constant 0 : i32
      %dma_wait3A_124 = arith.constant 0 : i32
      %dma_wait3A_125 = arith.constant 0 : i32
      %dma_wait3A_126 = tpu.memref_slice %arg6[%dma_wait3A, %dma_wait3A_124, %dma_wait3A_125] : memref<4x50x128xf32, #tpu.memory_space<vmem>> -> memref<1x50x128xf32, #tpu.memory_space<vmem>>
      %dma_wait3A_127 = tpu.memref_squeeze %dma_wait3A_126 : memref<1x50x128xf32, #tpu.memory_space<vmem>> -> memref<50x128xf32, #tpu.memory_space<vmem>>
      %dma_wait3A_128 = arith.constant 0 : i32
      %dma_wait3A_129 = tpu.memref_slice %arg5[%add3A_123, %dma_wait3A_128] : memref<128x50xi32, #tpu.memory_space<vmem>> -> memref<1x50xi32, #tpu.memory_space<vmem>>
      %dma_wait3A_130 = tpu.memref_squeeze %dma_wait3A_129 : memref<1x50xi32, #tpu.memory_space<vmem>> -> memref<50xi32, #tpu.memory_space<vmem>>
      %dma_wait3A_131 = arith.constant 0 : i32
      %dma_wait3A_132 = arith.constant 0 : i32
      %dma_wait3A_133 = tpu.memref_slice %arg2[%dma_wait3A_131, %dma_wait3A_132] : memref<1000000x128xf32, #tpu.memory_space<hbm>> -> memref<1000000x128xf32, #tpu.memory_space<hbm>>
      tpu.wait_indirect_dma semaphore(%arg9 : memref<!tpu.dma_semaphore, #tpu.memory_space<semaphore_mem>>) src(%dma_wait3A_133 : memref<1000000x128xf32, #tpu.memory_space<hbm>>) dst(%dma_wait3A_127 : memref<50x128xf32, #tpu.memory_space<vmem>>)
      %mul3A_134 = arith.constant 4 : i32
      %mul3A_135 = arith.muli %mul3A_57, %mul3A_134 : i32
      %add3A_136 = arith.constant 1 : i32
      %add3A_137 = arith.addi %mul3A_135, %add3A_136 : i32
      %dma_wait3A_138 = arith.constant 1 : i32
      %dma_wait3A_139 = arith.constant 0 : i32
      %dma_wait3A_140 = arith.constant 0 : i32
      %dma_wait3A_141 = tpu.memref_slice %arg6[%dma_wait3A_138, %dma_wait3A_139, %dma_wait3A_140] : memref<4x50x128xf32, #tpu.memory_space<vmem>> -> memref<1x50x128xf32, #tpu.memory_space<vmem>>
      %dma_wait3A_142 = tpu.memref_squeeze %dma_wait3A_141 : memref<1x50x128xf32, #tpu.memory_space<vmem>> -> memref<50x128xf32, #tpu.memory_space<vmem>>
      %dma_wait3A_143 = arith.constant 0 : i32
      %dma_wait3A_144 = tpu.memref_slice %arg5[%add3A_137, %dma_wait3A_143] : memref<128x50xi32, #tpu.memory_space<vmem>> -> memref<1x50xi32, #tpu.memory_space<vmem>>
      %dma_wait3A_145 = tpu.memref_squeeze %dma_wait3A_144 : memref<1x50xi32, #tpu.memory_space<vmem>> -> memref<50xi32, #tpu.memory_space<vmem>>
      %dma_wait3A_146 = arith.constant 0 : i32
      %dma_wait3A_147 = arith.constant 0 : i32
      %dma_wait3A_148 = tpu.memref_slice %arg2[%dma_wait3A_146, %dma_wait3A_147] : memref<1000000x128xf32, #tpu.memory_space<hbm>> -> memref<1000000x128xf32, #tpu.memory_space<hbm>>
      tpu.wait_indirect_dma semaphore(%arg9 : memref<!tpu.dma_semaphore, #tpu.memory_space<semaphore_mem>>) src(%dma_wait3A_148 : memref<1000000x128xf32, #tpu.memory_space<hbm>>) dst(%dma_wait3A_142 : memref<50x128xf32, #tpu.memory_space<vmem>>)
      %mul3A_149 = arith.constant 4 : i32
      %mul3A_150 = arith.muli %mul3A_57, %mul3A_149 : i32
      %add3A_151 = arith.constant 2 : i32
      %add3A_152 = arith.addi %mul3A_150, %add3A_151 : i32
      %dma_wait3A_153 = arith.constant 2 : i32
      %dma_wait3A_154 = arith.constant 0 : i32
      %dma_wait3A_155 = arith.constant 0 : i32
      %dma_wait3A_156 = tpu.memref_slice %arg6[%dma_wait3A_153, %dma_wait3A_154, %dma_wait3A_155] : memref<4x50x128xf32, #tpu.memory_space<vmem>> -> memref<1x50x128xf32, #tpu.memory_space<vmem>>
      %dma_wait3A_157 = tpu.memref_squeeze %dma_wait3A_156 : memref<1x50x128xf32, #tpu.memory_space<vmem>> -> memref<50x128xf32, #tpu.memory_space<vmem>>
      %dma_wait3A_158 = arith.constant 0 : i32
      %dma_wait3A_159 = tpu.memref_slice %arg5[%add3A_152, %dma_wait3A_158] : memref<128x50xi32, #tpu.memory_space<vmem>> -> memref<1x50xi32, #tpu.memory_space<vmem>>
      %dma_wait3A_160 = tpu.memref_squeeze %dma_wait3A_159 : memref<1x50xi32, #tpu.memory_space<vmem>> -> memref<50xi32, #tpu.memory_space<vmem>>
      %dma_wait3A_161 = arith.constant 0 : i32
      %dma_wait3A_162 = arith.constant 0 : i32
      %dma_wait3A_163 = tpu.memref_slice %arg2[%dma_wait3A_161, %dma_wait3A_162] : memref<1000000x128xf32, #tpu.memory_space<hbm>> -> memref<1000000x128xf32, #tpu.memory_space<hbm>>
      tpu.wait_indirect_dma semaphore(%arg9 : memref<!tpu.dma_semaphore, #tpu.memory_space<semaphore_mem>>) src(%dma_wait3A_163 : memref<1000000x128xf32, #tpu.memory_space<hbm>>) dst(%dma_wait3A_157 : memref<50x128xf32, #tpu.memory_space<vmem>>)
      %mul3A_164 = arith.constant 4 : i32
      %mul3A_165 = arith.muli %mul3A_57, %mul3A_164 : i32
      %add3A_166 = arith.constant 3 : i32
      %add3A_167 = arith.addi %mul3A_165, %add3A_166 : i32
      %dma_wait3A_168 = arith.constant 3 : i32
      %dma_wait3A_169 = arith.constant 0 : i32
      %dma_wait3A_170 = arith.constant 0 : i32
      %dma_wait3A_171 = tpu.memref_slice %arg6[%dma_wait3A_168, %dma_wait3A_169, %dma_wait3A_170] : memref<4x50x128xf32, #tpu.memory_space<vmem>> -> memref<1x50x128xf32, #tpu.memory_space<vmem>>
      %dma_wait3A_172 = tpu.memref_squeeze %dma_wait3A_171 : memref<1x50x128xf32, #tpu.memory_space<vmem>> -> memref<50x128xf32, #tpu.memory_space<vmem>>
      %dma_wait3A_173 = arith.constant 0 : i32
      %dma_wait3A_174 = tpu.memref_slice %arg5[%add3A_167, %dma_wait3A_173] : memref<128x50xi32, #tpu.memory_space<vmem>> -> memref<1x50xi32, #tpu.memory_space<vmem>>
      %dma_wait3A_175 = tpu.memref_squeeze %dma_wait3A_174 : memref<1x50xi32, #tpu.memory_space<vmem>> -> memref<50xi32, #tpu.memory_space<vmem>>
      %dma_wait3A_176 = arith.constant 0 : i32
      %dma_wait3A_177 = arith.constant 0 : i32
      %dma_wait3A_178 = tpu.memref_slice %arg2[%dma_wait3A_176, %dma_wait3A_177] : memref<1000000x128xf32, #tpu.memory_space<hbm>> -> memref<1000000x128xf32, #tpu.memory_space<hbm>>
      tpu.wait_indirect_dma semaphore(%arg9 : memref<!tpu.dma_semaphore, #tpu.memory_space<semaphore_mem>>) src(%dma_wait3A_178 : memref<1000000x128xf32, #tpu.memory_space<hbm>>) dst(%dma_wait3A_172 : memref<50x128xf32, #tpu.memory_space<vmem>>)
      %scan3A_179 = arith.constant 0 : i32
      %scan3A_180 = arith.constant 0 : i32
      %scan3A_181 = arith.constant 50 : i32
      %scan3A_182 = arith.addi %scan3A_180, %scan3A_181 : i32
      %scan3A_183 = arith.constant 1 : i32
      scf.for %scan3A_299 = %scan3A_180 to %scan3A_182 step %scan3A_183  : i32 {
        %get3A = arith.constant 0 : i32
        %get3A_300 = arith.index_cast %get3A : i32 to index
        %get3A_301 = arith.index_cast %scan3A_299 : i32 to index
        %get3A_302 = arith.constant 0 : index
        %get3A_303 = tpu.vector_load %arg6[%get3A_300, %get3A_301, %get3A_302] {strides = array<i32>} : memref<4x50x128xf32, #tpu.memory_space<vmem>>, vector<1x1x16xf32>,
        %get3A_304 = vector.shape_cast %get3A_303 : vector<1x1x16xf32> to vector<16xf32>
        %swap3A = arith.constant 0 : i32
        %swap3A_305 = arith.index_cast %swap3A : i32 to index
        %swap3A_306 = arith.index_cast %scan3A_299 : i32 to index
        %swap3A_307 = arith.constant 0 : index
        %swap3A_308 = tpu.vector_load %arg8[%swap3A_305, %swap3A_306, %swap3A_307] {strides = array<i32>} : memref<4x50x64xf32, #tpu.memory_space<vmem>>, vector<1x1x16xf32>,
        %swap3A_309 = vector.shape_cast %swap3A_308 : vector<1x1x16xf32> to vector<16xf32>
        %swap3A_310 = vector.shape_cast %get3A_304 : vector<16xf32> to vector<1x1x16xf32>
        tpu.vector_store %arg8[%swap3A_305, %swap3A_306, %swap3A_307], %swap3A_310 {strides = array<i32>} : memref<4x50x64xf32, #tpu.memory_space<vmem>>, vector<1x1x16xf32>,
        %get3A_311 = arith.constant 0 : i32
        %get3A_312 = arith.index_cast %get3A_311 : i32 to index
        %get3A_313 = arith.index_cast %scan3A_299 : i32 to index
        %get3A_314 = arith.constant 16 : index
        %get3A_315 = tpu.vector_load %arg6[%get3A_312, %get3A_313, %get3A_314] {strides = array<i32>} : memref<4x50x128xf32, #tpu.memory_space<vmem>>, vector<1x1x16xf32>,
        %get3A_316 = vector.shape_cast %get3A_315 : vector<1x1x16xf32> to vector<16xf32>
        %swap3A_317 = arith.constant 0 : i32
        %swap3A_318 = arith.index_cast %swap3A_317 : i32 to index
        %swap3A_319 = arith.index_cast %scan3A_299 : i32 to index
        %swap3A_320 = arith.constant 16 : index
        %swap3A_321 = tpu.vector_load %arg8[%swap3A_318, %swap3A_319, %swap3A_320] {strides = array<i32>} : memref<4x50x64xf32, #tpu.memory_space<vmem>>, vector<1x1x16xf32>,
        %swap3A_322 = vector.shape_cast %swap3A_321 : vector<1x1x16xf32> to vector<16xf32>
        %swap3A_323 = vector.shape_cast %get3A_316 : vector<16xf32> to vector<1x1x16xf32>
        tpu.vector_store %arg8[%swap3A_318, %swap3A_319, %swap3A_320], %swap3A_323 {strides = array<i32>} : memref<4x50x64xf32, #tpu.memory_space<vmem>>, vector<1x1x16xf32>,
        %get3A_324 = arith.constant 0 : i32
        %get3A_325 = arith.index_cast %get3A_324 : i32 to index
        %get3A_326 = arith.index_cast %scan3A_299 : i32 to index
        %get3A_327 = arith.constant 32 : index
        %get3A_328 = tpu.vector_load %arg6[%get3A_325, %get3A_326, %get3A_327] {strides = array<i32>} : memref<4x50x128xf32, #tpu.memory_space<vmem>>, vector<1x1x16xf32>,
        %get3A_329 = vector.shape_cast %get3A_328 : vector<1x1x16xf32> to vector<16xf32>
        %swap3A_330 = arith.constant 0 : i32
        %swap3A_331 = arith.index_cast %swap3A_330 : i32 to index
        %swap3A_332 = arith.index_cast %scan3A_299 : i32 to index
        %swap3A_333 = arith.constant 32 : index
        %swap3A_334 = tpu.vector_load %arg8[%swap3A_331, %swap3A_332, %swap3A_333] {strides = array<i32>} : memref<4x50x64xf32, #tpu.memory_space<vmem>>, vector<1x1x16xf32>,
        %swap3A_335 = vector.shape_cast %swap3A_334 : vector<1x1x16xf32> to vector<16xf32>
        %swap3A_336 = vector.shape_cast %get3A_329 : vector<16xf32> to vector<1x1x16xf32>
        tpu.vector_store %arg8[%swap3A_331, %swap3A_332, %swap3A_333], %swap3A_336 {strides = array<i32>} : memref<4x50x64xf32, #tpu.memory_space<vmem>>, vector<1x1x16xf32>,
        %get3A_337 = arith.constant 0 : i32
        %get3A_338 = arith.index_cast %get3A_337 : i32 to index
        %get3A_339 = arith.index_cast %scan3A_299 : i32 to index
        %get3A_340 = arith.constant 48 : index
        %get3A_341 = tpu.vector_load %arg6[%get3A_338, %get3A_339, %get3A_340] {strides = array<i32>} : memref<4x50x128xf32, #tpu.memory_space<vmem>>, vector<1x1x16xf32>,
        %get3A_342 = vector.shape_cast %get3A_341 : vector<1x1x16xf32> to vector<16xf32>
        %swap3A_343 = arith.constant 0 : i32
        %swap3A_344 = arith.index_cast %swap3A_343 : i32 to index
        %swap3A_345 = arith.index_cast %scan3A_299 : i32 to index
        %swap3A_346 = arith.constant 48 : index
        %swap3A_347 = tpu.vector_load %arg8[%swap3A_344, %swap3A_345, %swap3A_346] {strides = array<i32>} : memref<4x50x64xf32, #tpu.memory_space<vmem>>, vector<1x1x16xf32>,
        %swap3A_348 = vector.shape_cast %swap3A_347 : vector<1x1x16xf32> to vector<16xf32>
        %swap3A_349 = vector.shape_cast %get3A_342 : vector<16xf32> to vector<1x1x16xf32>
        tpu.vector_store %arg8[%swap3A_344, %swap3A_345, %swap3A_346], %swap3A_349 {strides = array<i32>} : memref<4x50x64xf32, #tpu.memory_space<vmem>>, vector<1x1x16xf32>,
      }
      %scan3A_184 = arith.constant 50 : i32
      %scan3A_185 = arith.constant 0 : i32
      %scan3A_186 = arith.constant 0 : i32
      %scan3A_187 = arith.constant 50 : i32
      %scan3A_188 = arith.addi %scan3A_186, %scan3A_187 : i32
      %scan3A_189 = arith.constant 1 : i32
      scf.for %scan3A_299 = %scan3A_186 to %scan3A_188 step %scan3A_189  : i32 {
        %get3A = arith.constant 1 : i32
        %get3A_300 = arith.index_cast %get3A : i32 to index
        %get3A_301 = arith.index_cast %scan3A_299 : i32 to index
        %get3A_302 = arith.constant 0 : index
        %get3A_303 = tpu.vector_load %arg6[%get3A_300, %get3A_301, %get3A_302] {strides = array<i32>} : memref<4x50x128xf32, #tpu.memory_space<vmem>>, vector<1x1x16xf32>,
        %get3A_304 = vector.shape_cast %get3A_303 : vector<1x1x16xf32> to vector<16xf32>
        %swap3A = arith.constant 1 : i32
        %swap3A_305 = arith.index_cast %swap3A : i32 to index
        %swap3A_306 = arith.index_cast %scan3A_299 : i32 to index
        %swap3A_307 = arith.constant 0 : index
        %swap3A_308 = tpu.vector_load %arg8[%swap3A_305, %swap3A_306, %swap3A_307] {strides = array<i32>} : memref<4x50x64xf32, #tpu.memory_space<vmem>>, vector<1x1x16xf32>,
        %swap3A_309 = vector.shape_cast %swap3A_308 : vector<1x1x16xf32> to vector<16xf32>
        %swap3A_310 = vector.shape_cast %get3A_304 : vector<16xf32> to vector<1x1x16xf32>
        tpu.vector_store %arg8[%swap3A_305, %swap3A_306, %swap3A_307], %swap3A_310 {strides = array<i32>} : memref<4x50x64xf32, #tpu.memory_space<vmem>>, vector<1x1x16xf32>,
        %get3A_311 = arith.constant 1 : i32
        %get3A_312 = arith.index_cast %get3A_311 : i32 to index
        %get3A_313 = arith.index_cast %scan3A_299 : i32 to index
        %get3A_314 = arith.constant 16 : index
        %get3A_315 = tpu.vector_load %arg6[%get3A_312, %get3A_313, %get3A_314] {strides = array<i32>} : memref<4x50x128xf32, #tpu.memory_space<vmem>>, vector<1x1x16xf32>,
        %get3A_316 = vector.shape_cast %get3A_315 : vector<1x1x16xf32> to vector<16xf32>
        %swap3A_317 = arith.constant 1 : i32
        %swap3A_318 = arith.index_cast %swap3A_317 : i32 to index
        %swap3A_319 = arith.index_cast %scan3A_299 : i32 to index
        %swap3A_320 = arith.constant 16 : index
        %swap3A_321 = tpu.vector_load %arg8[%swap3A_318, %swap3A_319, %swap3A_320] {strides = array<i32>} : memref<4x50x64xf32, #tpu.memory_space<vmem>>, vector<1x1x16xf32>,
        %swap3A_322 = vector.shape_cast %swap3A_321 : vector<1x1x16xf32> to vector<16xf32>
        %swap3A_323 = vector.shape_cast %get3A_316 : vector<16xf32> to vector<1x1x16xf32>
        tpu.vector_store %arg8[%swap3A_318, %swap3A_319, %swap3A_320], %swap3A_323 {strides = array<i32>} : memref<4x50x64xf32, #tpu.memory_space<vmem>>, vector<1x1x16xf32>,
        %get3A_324 = arith.constant 1 : i32
        %get3A_325 = arith.index_cast %get3A_324 : i32 to index
        %get3A_326 = arith.index_cast %scan3A_299 : i32 to index
        %get3A_327 = arith.constant 32 : index
        %get3A_328 = tpu.vector_load %arg6[%get3A_325, %get3A_326, %get3A_327] {strides = array<i32>} : memref<4x50x128xf32, #tpu.memory_space<vmem>>, vector<1x1x16xf32>,
        %get3A_329 = vector.shape_cast %get3A_328 : vector<1x1x16xf32> to vector<16xf32>
        %swap3A_330 = arith.constant 1 : i32
        %swap3A_331 = arith.index_cast %swap3A_330 : i32 to index
        %swap3A_332 = arith.index_cast %scan3A_299 : i32 to index
        %swap3A_333 = arith.constant 32 : index
        %swap3A_334 = tpu.vector_load %arg8[%swap3A_331, %swap3A_332, %swap3A_333] {strides = array<i32>} : memref<4x50x64xf32, #tpu.memory_space<vmem>>, vector<1x1x16xf32>,
        %swap3A_335 = vector.shape_cast %swap3A_334 : vector<1x1x16xf32> to vector<16xf32>
        %swap3A_336 = vector.shape_cast %get3A_329 : vector<16xf32> to vector<1x1x16xf32>
        tpu.vector_store %arg8[%swap3A_331, %swap3A_332, %swap3A_333], %swap3A_336 {strides = array<i32>} : memref<4x50x64xf32, #tpu.memory_space<vmem>>, vector<1x1x16xf32>,
        %get3A_337 = arith.constant 1 : i32
        %get3A_338 = arith.index_cast %get3A_337 : i32 to index
        %get3A_339 = arith.index_cast %scan3A_299 : i32 to index
        %get3A_340 = arith.constant 48 : index
        %get3A_341 = tpu.vector_load %arg6[%get3A_338, %get3A_339, %get3A_340] {strides = array<i32>} : memref<4x50x128xf32, #tpu.memory_space<vmem>>, vector<1x1x16xf32>,
        %get3A_342 = vector.shape_cast %get3A_341 : vector<1x1x16xf32> to vector<16xf32>
        %swap3A_343 = arith.constant 1 : i32
        %swap3A_344 = arith.index_cast %swap3A_343 : i32 to index
        %swap3A_345 = arith.index_cast %scan3A_299 : i32 to index
        %swap3A_346 = arith.constant 48 : index
        %swap3A_347 = tpu.vector_load %arg8[%swap3A_344, %swap3A_345, %swap3A_346] {strides = array<i32>} : memref<4x50x64xf32, #tpu.memory_space<vmem>>, vector<1x1x16xf32>,
        %swap3A_348 = vector.shape_cast %swap3A_347 : vector<1x1x16xf32> to vector<16xf32>
        %swap3A_349 = vector.shape_cast %get3A_342 : vector<16xf32> to vector<1x1x16xf32>
        tpu.vector_store %arg8[%swap3A_344, %swap3A_345, %swap3A_346], %swap3A_349 {strides = array<i32>} : memref<4x50x64xf32, #tpu.memory_space<vmem>>, vector<1x1x16xf32>,
      }
      %scan3A_190 = arith.constant 50 : i32
      %scan3A_191 = arith.constant 0 : i32
      %scan3A_192 = arith.constant 0 : i32
      %scan3A_193 = arith.constant 50 : i32
      %scan3A_194 = arith.addi %scan3A_192, %scan3A_193 : i32
      %scan3A_195 = arith.constant 1 : i32
      scf.for %scan3A_299 = %scan3A_192 to %scan3A_194 step %scan3A_195  : i32 {
        %get3A = arith.constant 2 : i32
        %get3A_300 = arith.index_cast %get3A : i32 to index
        %get3A_301 = arith.index_cast %scan3A_299 : i32 to index
        %get3A_302 = arith.constant 0 : index
        %get3A_303 = tpu.vector_load %arg6[%get3A_300, %get3A_301, %get3A_302] {strides = array<i32>} : memref<4x50x128xf32, #tpu.memory_space<vmem>>, vector<1x1x16xf32>,
        %get3A_304 = vector.shape_cast %get3A_303 : vector<1x1x16xf32> to vector<16xf32>
        %swap3A = arith.constant 2 : i32
        %swap3A_305 = arith.index_cast %swap3A : i32 to index
        %swap3A_306 = arith.index_cast %scan3A_299 : i32 to index
        %swap3A_307 = arith.constant 0 : index
        %swap3A_308 = tpu.vector_load %arg8[%swap3A_305, %swap3A_306, %swap3A_307] {strides = array<i32>} : memref<4x50x64xf32, #tpu.memory_space<vmem>>, vector<1x1x16xf32>,
        %swap3A_309 = vector.shape_cast %swap3A_308 : vector<1x1x16xf32> to vector<16xf32>
        %swap3A_310 = vector.shape_cast %get3A_304 : vector<16xf32> to vector<1x1x16xf32>
        tpu.vector_store %arg8[%swap3A_305, %swap3A_306, %swap3A_307], %swap3A_310 {strides = array<i32>} : memref<4x50x64xf32, #tpu.memory_space<vmem>>, vector<1x1x16xf32>,
        %get3A_311 = arith.constant 2 : i32
        %get3A_312 = arith.index_cast %get3A_311 : i32 to index
        %get3A_313 = arith.index_cast %scan3A_299 : i32 to index
        %get3A_314 = arith.constant 16 : index
        %get3A_315 = tpu.vector_load %arg6[%get3A_312, %get3A_313, %get3A_314] {strides = array<i32>} : memref<4x50x128xf32, #tpu.memory_space<vmem>>, vector<1x1x16xf32>,
        %get3A_316 = vector.shape_cast %get3A_315 : vector<1x1x16xf32> to vector<16xf32>
        %swap3A_317 = arith.constant 2 : i32
        %swap3A_318 = arith.index_cast %swap3A_317 : i32 to index
        %swap3A_319 = arith.index_cast %scan3A_299 : i32 to index
        %swap3A_320 = arith.constant 16 : index
        %swap3A_321 = tpu.vector_load %arg8[%swap3A_318, %swap3A_319, %swap3A_320] {strides = array<i32>} : memref<4x50x64xf32, #tpu.memory_space<vmem>>, vector<1x1x16xf32>,
        %swap3A_322 = vector.shape_cast %swap3A_321 : vector<1x1x16xf32> to vector<16xf32>
        %swap3A_323 = vector.shape_cast %get3A_316 : vector<16xf32> to vector<1x1x16xf32>
        tpu.vector_store %arg8[%swap3A_318, %swap3A_319, %swap3A_320], %swap3A_323 {strides = array<i32>} : memref<4x50x64xf32, #tpu.memory_space<vmem>>, vector<1x1x16xf32>,
        %get3A_324 = arith.constant 2 : i32
        %get3A_325 = arith.index_cast %get3A_324 : i32 to index
        %get3A_326 = arith.index_cast %scan3A_299 : i32 to index
        %get3A_327 = arith.constant 32 : index
        %get3A_328 = tpu.vector_load %arg6[%get3A_325, %get3A_326, %get3A_327] {strides = array<i32>} : memref<4x50x128xf32, #tpu.memory_space<vmem>>, vector<1x1x16xf32>,
        %get3A_329 = vector.shape_cast %get3A_328 : vector<1x1x16xf32> to vector<16xf32>
        %swap3A_330 = arith.constant 2 : i32
        %swap3A_331 = arith.index_cast %swap3A_330 : i32 to index
        %swap3A_332 = arith.index_cast %scan3A_299 : i32 to index
        %swap3A_333 = arith.constant 32 : index
        %swap3A_334 = tpu.vector_load %arg8[%swap3A_331, %swap3A_332, %swap3A_333] {strides = array<i32>} : memref<4x50x64xf32, #tpu.memory_space<vmem>>, vector<1x1x16xf32>,
        %swap3A_335 = vector.shape_cast %swap3A_334 : vector<1x1x16xf32> to vector<16xf32>
        %swap3A_336 = vector.shape_cast %get3A_329 : vector<16xf32> to vector<1x1x16xf32>
        tpu.vector_store %arg8[%swap3A_331, %swap3A_332, %swap3A_333], %swap3A_336 {strides = array<i32>} : memref<4x50x64xf32, #tpu.memory_space<vmem>>, vector<1x1x16xf32>,
        %get3A_337 = arith.constant 2 : i32
        %get3A_338 = arith.index_cast %get3A_337 : i32 to index
        %get3A_339 = arith.index_cast %scan3A_299 : i32 to index
        %get3A_340 = arith.constant 48 : index
        %get3A_341 = tpu.vector_load %arg6[%get3A_338, %get3A_339, %get3A_340] {strides = array<i32>} : memref<4x50x128xf32, #tpu.memory_space<vmem>>, vector<1x1x16xf32>,
        %get3A_342 = vector.shape_cast %get3A_341 : vector<1x1x16xf32> to vector<16xf32>
        %swap3A_343 = arith.constant 2 : i32
        %swap3A_344 = arith.index_cast %swap3A_343 : i32 to index
        %swap3A_345 = arith.index_cast %scan3A_299 : i32 to index
        %swap3A_346 = arith.constant 48 : index
        %swap3A_347 = tpu.vector_load %arg8[%swap3A_344, %swap3A_345, %swap3A_346] {strides = array<i32>} : memref<4x50x64xf32, #tpu.memory_space<vmem>>, vector<1x1x16xf32>,
        %swap3A_348 = vector.shape_cast %swap3A_347 : vector<1x1x16xf32> to vector<16xf32>
        %swap3A_349 = vector.shape_cast %get3A_342 : vector<16xf32> to vector<1x1x16xf32>
        tpu.vector_store %arg8[%swap3A_344, %swap3A_345, %swap3A_346], %swap3A_349 {strides = array<i32>} : memref<4x50x64xf32, #tpu.memory_space<vmem>>, vector<1x1x16xf32>,
      }
      %scan3A_196 = arith.constant 50 : i32
      %scan3A_197 = arith.constant 0 : i32
      %scan3A_198 = arith.constant 0 : i32
      %scan3A_199 = arith.constant 50 : i32
      %scan3A_200 = arith.addi %scan3A_198, %scan3A_199 : i32
      %scan3A_201 = arith.constant 1 : i32
      scf.for %scan3A_299 = %scan3A_198 to %scan3A_200 step %scan3A_201  : i32 {
        %get3A = arith.constant 3 : i32
        %get3A_300 = arith.index_cast %get3A : i32 to index
        %get3A_301 = arith.index_cast %scan3A_299 : i32 to index
        %get3A_302 = arith.constant 0 : index
        %get3A_303 = tpu.vector_load %arg6[%get3A_300, %get3A_301, %get3A_302] {strides = array<i32>} : memref<4x50x128xf32, #tpu.memory_space<vmem>>, vector<1x1x16xf32>,
        %get3A_304 = vector.shape_cast %get3A_303 : vector<1x1x16xf32> to vector<16xf32>
        %swap3A = arith.constant 3 : i32
        %swap3A_305 = arith.index_cast %swap3A : i32 to index
        %swap3A_306 = arith.index_cast %scan3A_299 : i32 to index
        %swap3A_307 = arith.constant 0 : index
        %swap3A_308 = tpu.vector_load %arg8[%swap3A_305, %swap3A_306, %swap3A_307] {strides = array<i32>} : memref<4x50x64xf32, #tpu.memory_space<vmem>>, vector<1x1x16xf32>,
        %swap3A_309 = vector.shape_cast %swap3A_308 : vector<1x1x16xf32> to vector<16xf32>
        %swap3A_310 = vector.shape_cast %get3A_304 : vector<16xf32> to vector<1x1x16xf32>
        tpu.vector_store %arg8[%swap3A_305, %swap3A_306, %swap3A_307], %swap3A_310 {strides = array<i32>} : memref<4x50x64xf32, #tpu.memory_space<vmem>>, vector<1x1x16xf32>,
        %get3A_311 = arith.constant 3 : i32
        %get3A_312 = arith.index_cast %get3A_311 : i32 to index
        %get3A_313 = arith.index_cast %scan3A_299 : i32 to index
        %get3A_314 = arith.constant 16 : index
        %get3A_315 = tpu.vector_load %arg6[%get3A_312, %get3A_313, %get3A_314] {strides = array<i32>} : memref<4x50x128xf32, #tpu.memory_space<vmem>>, vector<1x1x16xf32>,
        %get3A_316 = vector.shape_cast %get3A_315 : vector<1x1x16xf32> to vector<16xf32>
        %swap3A_317 = arith.constant 3 : i32
        %swap3A_318 = arith.index_cast %swap3A_317 : i32 to index
        %swap3A_319 = arith.index_cast %scan3A_299 : i32 to index
        %swap3A_320 = arith.constant 16 : index
        %swap3A_321 = tpu.vector_load %arg8[%swap3A_318, %swap3A_319, %swap3A_320] {strides = array<i32>} : memref<4x50x64xf32, #tpu.memory_space<vmem>>, vector<1x1x16xf32>,
        %swap3A_322 = vector.shape_cast %swap3A_321 : vector<1x1x16xf32> to vector<16xf32>
        %swap3A_323 = vector.shape_cast %get3A_316 : vector<16xf32> to vector<1x1x16xf32>
        tpu.vector_store %arg8[%swap3A_318, %swap3A_319, %swap3A_320], %swap3A_323 {strides = array<i32>} : memref<4x50x64xf32, #tpu.memory_space<vmem>>, vector<1x1x16xf32>,
        %get3A_324 = arith.constant 3 : i32
        %get3A_325 = arith.index_cast %get3A_324 : i32 to index
        %get3A_326 = arith.index_cast %scan3A_299 : i32 to index
        %get3A_327 = arith.constant 32 : index
        %get3A_328 = tpu.vector_load %arg6[%get3A_325, %get3A_326, %get3A_327] {strides = array<i32>} : memref<4x50x128xf32, #tpu.memory_space<vmem>>, vector<1x1x16xf32>,
        %get3A_329 = vector.shape_cast %get3A_328 : vector<1x1x16xf32> to vector<16xf32>
        %swap3A_330 = arith.constant 3 : i32
        %swap3A_331 = arith.index_cast %swap3A_330 : i32 to index
        %swap3A_332 = arith.index_cast %scan3A_299 : i32 to index
        %swap3A_333 = arith.constant 32 : index
        %swap3A_334 = tpu.vector_load %arg8[%swap3A_331, %swap3A_332, %swap3A_333] {strides = array<i32>} : memref<4x50x64xf32, #tpu.memory_space<vmem>>, vector<1x1x16xf32>,
        %swap3A_335 = vector.shape_cast %swap3A_334 : vector<1x1x16xf32> to vector<16xf32>
        %swap3A_336 = vector.shape_cast %get3A_329 : vector<16xf32> to vector<1x1x16xf32>
        tpu.vector_store %arg8[%swap3A_331, %swap3A_332, %swap3A_333], %swap3A_336 {strides = array<i32>} : memref<4x50x64xf32, #tpu.memory_space<vmem>>, vector<1x1x16xf32>,
        %get3A_337 = arith.constant 3 : i32
        %get3A_338 = arith.index_cast %get3A_337 : i32 to index
        %get3A_339 = arith.index_cast %scan3A_299 : i32 to index
        %get3A_340 = arith.constant 48 : index
        %get3A_341 = tpu.vector_load %arg6[%get3A_338, %get3A_339, %get3A_340] {strides = array<i32>} : memref<4x50x128xf32, #tpu.memory_space<vmem>>, vector<1x1x16xf32>,
        %get3A_342 = vector.shape_cast %get3A_341 : vector<1x1x16xf32> to vector<16xf32>
        %swap3A_343 = arith.constant 3 : i32
        %swap3A_344 = arith.index_cast %swap3A_343 : i32 to index
        %swap3A_345 = arith.index_cast %scan3A_299 : i32 to index
        %swap3A_346 = arith.constant 48 : index
        %swap3A_347 = tpu.vector_load %arg8[%swap3A_344, %swap3A_345, %swap3A_346] {strides = array<i32>} : memref<4x50x64xf32, #tpu.memory_space<vmem>>, vector<1x1x16xf32>,
        %swap3A_348 = vector.shape_cast %swap3A_347 : vector<1x1x16xf32> to vector<16xf32>
        %swap3A_349 = vector.shape_cast %get3A_342 : vector<16xf32> to vector<1x1x16xf32>
        tpu.vector_store %arg8[%swap3A_344, %swap3A_345, %swap3A_346], %swap3A_349 {strides = array<i32>} : memref<4x50x64xf32, #tpu.memory_space<vmem>>, vector<1x1x16xf32>,
      }
      %scan3A_202 = arith.constant 50 : i32
      %mul3A_203 = arith.constant 4 : i32
      %mul3A_204 = arith.muli %mul3A_57, %mul3A_203 : i32
      %add3A_205 = arith.addi %mul3A_2, %mul3A_204 : i32
      "tpu.region"() ({
        %run_scoped3A = tpu.sem_alloc : memref<!tpu.dma_semaphore, #tpu.memory_space<semaphore_mem>>
        %dma_start3A_299 = arith.constant 0 : i32
        %dma_start3A_300 = arith.constant 0 : i32
        %dma_start3A_301 = tpu.memref_slice %arg4[%add3A_205, %dma_start3A_299, %dma_start3A_300] : memref<4096x50x64xf32, #tpu.memory_space<hbm>> -> memref<4x50x64xf32, #tpu.memory_space<hbm>>
        %dma_start3A_302 = arith.constant 0 : i32
        %dma_start3A_303 = arith.constant 0 : i32
        %dma_start3A_304 = tpu.memref_slice %arg4[%add3A_205, %dma_start3A_302, %dma_start3A_303] : memref<4096x50x64xf32, #tpu.memory_space<hbm>> -> memref<4x50x64xf32, #tpu.memory_space<hbm>>
        tpu.enqueue_dma source(%arg8 : memref<4x50x64xf32, #tpu.memory_space<vmem>>) target(%dma_start3A_304 : memref<4x50x64xf32, #tpu.memory_space<hbm>>) target_semaphore(%run_scoped3A : memref<!tpu.dma_semaphore, #tpu.memory_space<semaphore_mem>>)
        %dma_wait3A_305 = arith.constant 0 : i32
        %dma_wait3A_306 = arith.constant 0 : i32
        %dma_wait3A_307 = tpu.memref_slice %arg4[%add3A_205, %dma_wait3A_305, %dma_wait3A_306] : memref<4096x50x64xf32, #tpu.memory_space<hbm>> -> memref<4x50x64xf32, #tpu.memory_space<hbm>>
        %dma_wait3A_308 = arith.constant 0 : i32
        %dma_wait3A_309 = arith.constant 0 : i32
        %dma_wait3A_310 = tpu.memref_slice %arg4[%add3A_205, %dma_wait3A_308, %dma_wait3A_309] : memref<4096x50x64xf32, #tpu.memory_space<hbm>> -> memref<4x50x64xf32, #tpu.memory_space<hbm>>
        tpu.wait_dma2 semaphore(%run_scoped3A : memref<!tpu.dma_semaphore, #tpu.memory_space<semaphore_mem>>) src(%arg8 : memref<4x50x64xf32, #tpu.memory_space<vmem>>) dst(%dma_wait3A_310 : memref<4x50x64xf32, #tpu.memory_space<hbm>>)
        tpu.yield
      }) : () -> ()
      %add3A_206 = arith.constant 2 : i32
      %add3A_207 = arith.addi %mul3A_57, %add3A_206 : i32
      %lt3A = arith.constant 32 : i32
      %lt3A_208 = arith.cmpi slt, %add3A_207, %lt3A : i32
      %convert_element_type3A = arith.extui %lt3A_208 : i1 to i32
      %cond3A = arith.constant 0 : i32
      %cond3A_209 = arith.cmpi ne, %convert_element_type3A, %cond3A : i32
      scf.if %cond3A_209 {
        %add3A_299 = arith.constant 2 : i32
        %add3A_300 = arith.addi %mul3A_57, %add3A_299 : i32
        %mul3A_301 = arith.constant 4 : i32
        %mul3A_302 = arith.muli %add3A_300, %mul3A_301 : i32
        %add3A_303 = arith.constant 0 : i32
        %add3A_304 = arith.addi %mul3A_302, %add3A_303 : i32
        %dma_start3A_305 = arith.constant 0 : i32
        %dma_start3A_306 = arith.constant 0 : i32
        %dma_start3A_307 = arith.constant 0 : i32
        %dma_start3A_308 = tpu.memref_slice %arg6[%dma_start3A_305, %dma_start3A_306, %dma_start3A_307] : memref<4x50x128xf32, #tpu.memory_space<vmem>> -> memref<1x50x128xf32, #tpu.memory_space<vmem>>
        %dma_start3A_309 = tpu.memref_squeeze %dma_start3A_308 : memref<1x50x128xf32, #tpu.memory_space<vmem>> -> memref<50x128xf32, #tpu.memory_space<vmem>>
        %dma_start3A_310 = arith.constant 0 : i32
        %dma_start3A_311 = tpu.memref_slice %arg5[%add3A_304, %dma_start3A_310] : memref<128x50xi32, #tpu.memory_space<vmem>> -> memref<1x50xi32, #tpu.memory_space<vmem>>
        %dma_start3A_312 = tpu.memref_squeeze %dma_start3A_311 : memref<1x50xi32, #tpu.memory_space<vmem>> -> memref<50xi32, #tpu.memory_space<vmem>>
        %dma_start3A_313 = arith.constant 0 : i32
        %dma_start3A_314 = arith.constant 0 : i32
        %dma_start3A_315 = tpu.memref_slice %arg2[%dma_start3A_313, %dma_start3A_314] : memref<1000000x128xf32, #tpu.memory_space<hbm>> -> memref<1000000x128xf32, #tpu.memory_space<hbm>>
        tpu.enqueue_indirect_dma source(%dma_start3A_315 : memref<1000000x128xf32, #tpu.memory_space<hbm>>) target(%dma_start3A_309 : memref<50x128xf32, #tpu.memory_space<vmem>>) offsets(%dma_start3A_312 : memref<50xi32, #tpu.memory_space<vmem>>) semaphore(%arg9 : memref<!tpu.dma_semaphore, #tpu.memory_space<semaphore_mem>>)
        %mul3A_316 = arith.constant 4 : i32
        %mul3A_317 = arith.muli %add3A_300, %mul3A_316 : i32
        %add3A_318 = arith.constant 1 : i32
        %add3A_319 = arith.addi %mul3A_317, %add3A_318 : i32
        %dma_start3A_320 = arith.constant 1 : i32
        %dma_start3A_321 = arith.constant 0 : i32
        %dma_start3A_322 = arith.constant 0 : i32
        %dma_start3A_323 = tpu.memref_slice %arg6[%dma_start3A_320, %dma_start3A_321, %dma_start3A_322] : memref<4x50x128xf32, #tpu.memory_space<vmem>> -> memref<1x50x128xf32, #tpu.memory_space<vmem>>
        %dma_start3A_324 = tpu.memref_squeeze %dma_start3A_323 : memref<1x50x128xf32, #tpu.memory_space<vmem>> -> memref<50x128xf32, #tpu.memory_space<vmem>>
        %dma_start3A_325 = arith.constant 0 : i32
        %dma_start3A_326 = tpu.memref_slice %arg5[%add3A_319, %dma_start3A_325] : memref<128x50xi32, #tpu.memory_space<vmem>> -> memref<1x50xi32, #tpu.memory_space<vmem>>
        %dma_start3A_327 = tpu.memref_squeeze %dma_start3A_326 : memref<1x50xi32, #tpu.memory_space<vmem>> -> memref<50xi32, #tpu.memory_space<vmem>>
        %dma_start3A_328 = arith.constant 0 : i32
        %dma_start3A_329 = arith.constant 0 : i32
        %dma_start3A_330 = tpu.memref_slice %arg2[%dma_start3A_328, %dma_start3A_329] : memref<1000000x128xf32, #tpu.memory_space<hbm>> -> memref<1000000x128xf32, #tpu.memory_space<hbm>>
        tpu.enqueue_indirect_dma source(%dma_start3A_330 : memref<1000000x128xf32, #tpu.memory_space<hbm>>) target(%dma_start3A_324 : memref<50x128xf32, #tpu.memory_space<vmem>>) offsets(%dma_start3A_327 : memref<50xi32, #tpu.memory_space<vmem>>) semaphore(%arg9 : memref<!tpu.dma_semaphore, #tpu.memory_space<semaphore_mem>>)
        %mul3A_331 = arith.constant 4 : i32
        %mul3A_332 = arith.muli %add3A_300, %mul3A_331 : i32
        %add3A_333 = arith.constant 2 : i32
        %add3A_334 = arith.addi %mul3A_332, %add3A_333 : i32
        %dma_start3A_335 = arith.constant 2 : i32
        %dma_start3A_336 = arith.constant 0 : i32
        %dma_start3A_337 = arith.constant 0 : i32
        %dma_start3A_338 = tpu.memref_slice %arg6[%dma_start3A_335, %dma_start3A_336, %dma_start3A_337] : memref<4x50x128xf32, #tpu.memory_space<vmem>> -> memref<1x50x128xf32, #tpu.memory_space<vmem>>
        %dma_start3A_339 = tpu.memref_squeeze %dma_start3A_338 : memref<1x50x128xf32, #tpu.memory_space<vmem>> -> memref<50x128xf32, #tpu.memory_space<vmem>>
        %dma_start3A_340 = arith.constant 0 : i32
        %dma_start3A_341 = tpu.memref_slice %arg5[%add3A_334, %dma_start3A_340] : memref<128x50xi32, #tpu.memory_space<vmem>> -> memref<1x50xi32, #tpu.memory_space<vmem>>
        %dma_start3A_342 = tpu.memref_squeeze %dma_start3A_341 : memref<1x50xi32, #tpu.memory_space<vmem>> -> memref<50xi32, #tpu.memory_space<vmem>>
        %dma_start3A_343 = arith.constant 0 : i32
        %dma_start3A_344 = arith.constant 0 : i32
        %dma_start3A_345 = tpu.memref_slice %arg2[%dma_start3A_343, %dma_start3A_344] : memref<1000000x128xf32, #tpu.memory_space<hbm>> -> memref<1000000x128xf32, #tpu.memory_space<hbm>>
        tpu.enqueue_indirect_dma source(%dma_start3A_345 : memref<1000000x128xf32, #tpu.memory_space<hbm>>) target(%dma_start3A_339 : memref<50x128xf32, #tpu.memory_space<vmem>>) offsets(%dma_start3A_342 : memref<50xi32, #tpu.memory_space<vmem>>) semaphore(%arg9 : memref<!tpu.dma_semaphore, #tpu.memory_space<semaphore_mem>>)
        %mul3A_346 = arith.constant 4 : i32
        %mul3A_347 = arith.muli %add3A_300, %mul3A_346 : i32
        %add3A_348 = arith.constant 3 : i32
        %add3A_349 = arith.addi %mul3A_347, %add3A_348 : i32
        %dma_start3A_350 = arith.constant 3 : i32
        %dma_start3A_351 = arith.constant 0 : i32
        %dma_start3A_352 = arith.constant 0 : i32
        %dma_start3A_353 = tpu.memref_slice %arg6[%dma_start3A_350, %dma_start3A_351, %dma_start3A_352] : memref<4x50x128xf32, #tpu.memory_space<vmem>> -> memref<1x50x128xf32, #tpu.memory_space<vmem>>
        %dma_start3A_354 = tpu.memref_squeeze %dma_start3A_353 : memref<1x50x128xf32, #tpu.memory_space<vmem>> -> memref<50x128xf32, #tpu.memory_space<vmem>>
        %dma_start3A_355 = arith.constant 0 : i32
        %dma_start3A_356 = tpu.memref_slice %arg5[%add3A_349, %dma_start3A_355] : memref<128x50xi32, #tpu.memory_space<vmem>> -> memref<1x50xi32, #tpu.memory_space<vmem>>
        %dma_start3A_357 = tpu.memref_squeeze %dma_start3A_356 : memref<1x50xi32, #tpu.memory_space<vmem>> -> memref<50xi32, #tpu.memory_space<vmem>>
        %dma_start3A_358 = arith.constant 0 : i32
        %dma_start3A_359 = arith.constant 0 : i32
        %dma_start3A_360 = tpu.memref_slice %arg2[%dma_start3A_358, %dma_start3A_359] : memref<1000000x128xf32, #tpu.memory_space<hbm>> -> memref<1000000x128xf32, #tpu.memory_space<hbm>>
        tpu.enqueue_indirect_dma source(%dma_start3A_360 : memref<1000000x128xf32, #tpu.memory_space<hbm>>) target(%dma_start3A_354 : memref<50x128xf32, #tpu.memory_space<vmem>>) offsets(%dma_start3A_357 : memref<50xi32, #tpu.memory_space<vmem>>) semaphore(%arg9 : memref<!tpu.dma_semaphore, #tpu.memory_space<semaphore_mem>>)
      } else {
      }
      %add3A_210 = arith.constant 1 : i32
      %add3A_211 = arith.addi %mul3A_57, %add3A_210 : i32
      %mul3A_212 = arith.constant 4 : i32
      %mul3A_213 = arith.muli %add3A_211, %mul3A_212 : i32
      %add3A_214 = arith.constant 0 : i32
      %add3A_215 = arith.addi %mul3A_213, %add3A_214 : i32
      %dma_wait3A_216 = arith.constant 0 : i32
      %dma_wait3A_217 = arith.constant 0 : i32
      %dma_wait3A_218 = arith.constant 0 : i32
      %dma_wait3A_219 = tpu.memref_slice %arg7[%dma_wait3A_216, %dma_wait3A_217, %dma_wait3A_218] : memref<4x50x128xf32, #tpu.memory_space<vmem>> -> memref<1x50x128xf32, #tpu.memory_space<vmem>>
      %dma_wait3A_220 = tpu.memref_squeeze %dma_wait3A_219 : memref<1x50x128xf32, #tpu.memory_space<vmem>> -> memref<50x128xf32, #tpu.memory_space<vmem>>
      %dma_wait3A_221 = arith.constant 0 : i32
      %dma_wait3A_222 = tpu.memref_slice %arg5[%add3A_215, %dma_wait3A_221] : memref<128x50xi32, #tpu.memory_space<vmem>> -> memref<1x50xi32, #tpu.memory_space<vmem>>
      %dma_wait3A_223 = tpu.memref_squeeze %dma_wait3A_222 : memref<1x50xi32, #tpu.memory_space<vmem>> -> memref<50xi32, #tpu.memory_space<vmem>>
      %dma_wait3A_224 = arith.constant 0 : i32
      %dma_wait3A_225 = arith.constant 0 : i32
      %dma_wait3A_226 = tpu.memref_slice %arg2[%dma_wait3A_224, %dma_wait3A_225] : memref<1000000x128xf32, #tpu.memory_space<hbm>> -> memref<1000000x128xf32, #tpu.memory_space<hbm>>
      tpu.wait_indirect_dma semaphore(%arg10 : memref<!tpu.dma_semaphore, #tpu.memory_space<semaphore_mem>>) src(%dma_wait3A_226 : memref<1000000x128xf32, #tpu.memory_space<hbm>>) dst(%dma_wait3A_220 : memref<50x128xf32, #tpu.memory_space<vmem>>)
      %mul3A_227 = arith.constant 4 : i32
      %mul3A_228 = arith.muli %add3A_211, %mul3A_227 : i32
      %add3A_229 = arith.constant 1 : i32
      %add3A_230 = arith.addi %mul3A_228, %add3A_229 : i32
      %dma_wait3A_231 = arith.constant 1 : i32
      %dma_wait3A_232 = arith.constant 0 : i32
      %dma_wait3A_233 = arith.constant 0 : i32
      %dma_wait3A_234 = tpu.memref_slice %arg7[%dma_wait3A_231, %dma_wait3A_232, %dma_wait3A_233] : memref<4x50x128xf32, #tpu.memory_space<vmem>> -> memref<1x50x128xf32, #tpu.memory_space<vmem>>
      %dma_wait3A_235 = tpu.memref_squeeze %dma_wait3A_234 : memref<1x50x128xf32, #tpu.memory_space<vmem>> -> memref<50x128xf32, #tpu.memory_space<vmem>>
      %dma_wait3A_236 = arith.constant 0 : i32
      %dma_wait3A_237 = tpu.memref_slice %arg5[%add3A_230, %dma_wait3A_236] : memref<128x50xi32, #tpu.memory_space<vmem>> -> memref<1x50xi32, #tpu.memory_space<vmem>>
      %dma_wait3A_238 = tpu.memref_squeeze %dma_wait3A_237 : memref<1x50xi32, #tpu.memory_space<vmem>> -> memref<50xi32, #tpu.memory_space<vmem>>
      %dma_wait3A_239 = arith.constant 0 : i32
      %dma_wait3A_240 = arith.constant 0 : i32
      %dma_wait3A_241 = tpu.memref_slice %arg2[%dma_wait3A_239, %dma_wait3A_240] : memref<1000000x128xf32, #tpu.memory_space<hbm>> -> memref<1000000x128xf32, #tpu.memory_space<hbm>>
      tpu.wait_indirect_dma semaphore(%arg10 : memref<!tpu.dma_semaphore, #tpu.memory_space<semaphore_mem>>) src(%dma_wait3A_241 : memref<1000000x128xf32, #tpu.memory_space<hbm>>) dst(%dma_wait3A_235 : memref<50x128xf32, #tpu.memory_space<vmem>>)
      %mul3A_242 = arith.constant 4 : i32
      %mul3A_243 = arith.muli %add3A_211, %mul3A_242 : i32
      %add3A_244 = arith.constant 2 : i32
      %add3A_245 = arith.addi %mul3A_243, %add3A_244 : i32
      %dma_wait3A_246 = arith.constant 2 : i32
      %dma_wait3A_247 = arith.constant 0 : i32
      %dma_wait3A_248 = arith.constant 0 : i32
      %dma_wait3A_249 = tpu.memref_slice %arg7[%dma_wait3A_246, %dma_wait3A_247, %dma_wait3A_248] : memref<4x50x128xf32, #tpu.memory_space<vmem>> -> memref<1x50x128xf32, #tpu.memory_space<vmem>>
      %dma_wait3A_250 = tpu.memref_squeeze %dma_wait3A_249 : memref<1x50x128xf32, #tpu.memory_space<vmem>> -> memref<50x128xf32, #tpu.memory_space<vmem>>
      %dma_wait3A_251 = arith.constant 0 : i32
      %dma_wait3A_252 = tpu.memref_slice %arg5[%add3A_245, %dma_wait3A_251] : memref<128x50xi32, #tpu.memory_space<vmem>> -> memref<1x50xi32, #tpu.memory_space<vmem>>
      %dma_wait3A_253 = tpu.memref_squeeze %dma_wait3A_252 : memref<1x50xi32, #tpu.memory_space<vmem>> -> memref<50xi32, #tpu.memory_space<vmem>>
      %dma_wait3A_254 = arith.constant 0 : i32
      %dma_wait3A_255 = arith.constant 0 : i32
      %dma_wait3A_256 = tpu.memref_slice %arg2[%dma_wait3A_254, %dma_wait3A_255] : memref<1000000x128xf32, #tpu.memory_space<hbm>> -> memref<1000000x128xf32, #tpu.memory_space<hbm>>
      tpu.wait_indirect_dma semaphore(%arg10 : memref<!tpu.dma_semaphore, #tpu.memory_space<semaphore_mem>>) src(%dma_wait3A_256 : memref<1000000x128xf32, #tpu.memory_space<hbm>>) dst(%dma_wait3A_250 : memref<50x128xf32, #tpu.memory_space<vmem>>)
      %mul3A_257 = arith.constant 4 : i32
      %mul3A_258 = arith.muli %add3A_211, %mul3A_257 : i32
      %add3A_259 = arith.constant 3 : i32
      %add3A_260 = arith.addi %mul3A_258, %add3A_259 : i32
      %dma_wait3A_261 = arith.constant 3 : i32
      %dma_wait3A_262 = arith.constant 0 : i32
      %dma_wait3A_263 = arith.constant 0 : i32
      %dma_wait3A_264 = tpu.memref_slice %arg7[%dma_wait3A_261, %dma_wait3A_262, %dma_wait3A_263] : memref<4x50x128xf32, #tpu.memory_space<vmem>> -> memref<1x50x128xf32, #tpu.memory_space<vmem>>
      %dma_wait3A_265 = tpu.memref_squeeze %dma_wait3A_264 : memref<1x50x128xf32, #tpu.memory_space<vmem>> -> memref<50x128xf32, #tpu.memory_space<vmem>>
      %dma_wait3A_266 = arith.constant 0 : i32
      %dma_wait3A_267 = tpu.memref_slice %arg5[%add3A_260, %dma_wait3A_266] : memref<128x50xi32, #tpu.memory_space<vmem>> -> memref<1x50xi32, #tpu.memory_space<vmem>>
      %dma_wait3A_268 = tpu.memref_squeeze %dma_wait3A_267 : memref<1x50xi32, #tpu.memory_space<vmem>> -> memref<50xi32, #tpu.memory_space<vmem>>
      %dma_wait3A_269 = arith.constant 0 : i32
      %dma_wait3A_270 = arith.constant 0 : i32
      %dma_wait3A_271 = tpu.memref_slice %arg2[%dma_wait3A_269, %dma_wait3A_270] : memref<1000000x128xf32, #tpu.memory_space<hbm>> -> memref<1000000x128xf32, #tpu.memory_space<hbm>>
      tpu.wait_indirect_dma semaphore(%arg10 : memref<!tpu.dma_semaphore, #tpu.memory_space<semaphore_mem>>) src(%dma_wait3A_271 : memref<1000000x128xf32, #tpu.memory_space<hbm>>) dst(%dma_wait3A_265 : memref<50x128xf32, #tpu.memory_space<vmem>>)
      %scan3A_272 = arith.constant 0 : i32
      %scan3A_273 = arith.constant 0 : i32
      %scan3A_274 = arith.constant 50 : i32
      %scan3A_275 = arith.addi %scan3A_273, %scan3A_274 : i32
      %scan3A_276 = arith.constant 1 : i32
      scf.for %scan3A_299 = %scan3A_273 to %scan3A_275 step %scan3A_276  : i32 {
        %get3A = arith.constant 0 : i32
        %get3A_300 = arith.index_cast %get3A : i32 to index
        %get3A_301 = arith.index_cast %scan3A_299 : i32 to index
        %get3A_302 = arith.constant 0 : index
        %get3A_303 = tpu.vector_load %arg7[%get3A_300, %get3A_301, %get3A_302] {strides = array<i32>} : memref<4x50x128xf32, #tpu.memory_space<vmem>>, vector<1x1x16xf32>,
        %get3A_304 = vector.shape_cast %get3A_303 : vector<1x1x16xf32> to vector<16xf32>
        %swap3A = arith.constant 0 : i32
        %swap3A_305 = arith.index_cast %swap3A : i32 to index
        %swap3A_306 = arith.index_cast %scan3A_299 : i32 to index
        %swap3A_307 = arith.constant 0 : index
        %swap3A_308 = tpu.vector_load %arg8[%swap3A_305, %swap3A_306, %swap3A_307] {strides = array<i32>} : memref<4x50x64xf32, #tpu.memory_space<vmem>>, vector<1x1x16xf32>,
        %swap3A_309 = vector.shape_cast %swap3A_308 : vector<1x1x16xf32> to vector<16xf32>
        %swap3A_310 = vector.shape_cast %get3A_304 : vector<16xf32> to vector<1x1x16xf32>
        tpu.vector_store %arg8[%swap3A_305, %swap3A_306, %swap3A_307], %swap3A_310 {strides = array<i32>} : memref<4x50x64xf32, #tpu.memory_space<vmem>>, vector<1x1x16xf32>,
        %get3A_311 = arith.constant 0 : i32
        %get3A_312 = arith.index_cast %get3A_311 : i32 to index
        %get3A_313 = arith.index_cast %scan3A_299 : i32 to index
        %get3A_314 = arith.constant 16 : index
        %get3A_315 = tpu.vector_load %arg7[%get3A_312, %get3A_313, %get3A_314] {strides = array<i32>} : memref<4x50x128xf32, #tpu.memory_space<vmem>>, vector<1x1x16xf32>,
        %get3A_316 = vector.shape_cast %get3A_315 : vector<1x1x16xf32> to vector<16xf32>
        %swap3A_317 = arith.constant 0 : i32
        %swap3A_318 = arith.index_cast %swap3A_317 : i32 to index
        %swap3A_319 = arith.index_cast %scan3A_299 : i32 to index
        %swap3A_320 = arith.constant 16 : index
        %swap3A_321 = tpu.vector_load %arg8[%swap3A_318, %swap3A_319, %swap3A_320] {strides = array<i32>} : memref<4x50x64xf32, #tpu.memory_space<vmem>>, vector<1x1x16xf32>,
        %swap3A_322 = vector.shape_cast %swap3A_321 : vector<1x1x16xf32> to vector<16xf32>
        %swap3A_323 = vector.shape_cast %get3A_316 : vector<16xf32> to vector<1x1x16xf32>
        tpu.vector_store %arg8[%swap3A_318, %swap3A_319, %swap3A_320], %swap3A_323 {strides = array<i32>} : memref<4x50x64xf32, #tpu.memory_space<vmem>>, vector<1x1x16xf32>,
        %get3A_324 = arith.constant 0 : i32
        %get3A_325 = arith.index_cast %get3A_324 : i32 to index
        %get3A_326 = arith.index_cast %scan3A_299 : i32 to index
        %get3A_327 = arith.constant 32 : index
        %get3A_328 = tpu.vector_load %arg7[%get3A_325, %get3A_326, %get3A_327] {strides = array<i32>} : memref<4x50x128xf32, #tpu.memory_space<vmem>>, vector<1x1x16xf32>,
        %get3A_329 = vector.shape_cast %get3A_328 : vector<1x1x16xf32> to vector<16xf32>
        %swap3A_330 = arith.constant 0 : i32
        %swap3A_331 = arith.index_cast %swap3A_330 : i32 to index
        %swap3A_332 = arith.index_cast %scan3A_299 : i32 to index
        %swap3A_333 = arith.constant 32 : index
        %swap3A_334 = tpu.vector_load %arg8[%swap3A_331, %swap3A_332, %swap3A_333] {strides = array<i32>} : memref<4x50x64xf32, #tpu.memory_space<vmem>>, vector<1x1x16xf32>,
        %swap3A_335 = vector.shape_cast %swap3A_334 : vector<1x1x16xf32> to vector<16xf32>
        %swap3A_336 = vector.shape_cast %get3A_329 : vector<16xf32> to vector<1x1x16xf32>
        tpu.vector_store %arg8[%swap3A_331, %swap3A_332, %swap3A_333], %swap3A_336 {strides = array<i32>} : memref<4x50x64xf32, #tpu.memory_space<vmem>>, vector<1x1x16xf32>,
        %get3A_337 = arith.constant 0 : i32
        %get3A_338 = arith.index_cast %get3A_337 : i32 to index
        %get3A_339 = arith.index_cast %scan3A_299 : i32 to index
        %get3A_340 = arith.constant 48 : index
        %get3A_341 = tpu.vector_load %arg7[%get3A_338, %get3A_339, %get3A_340] {strides = array<i32>} : memref<4x50x128xf32, #tpu.memory_space<vmem>>, vector<1x1x16xf32>,
        %get3A_342 = vector.shape_cast %get3A_341 : vector<1x1x16xf32> to vector<16xf32>
        %swap3A_343 = arith.constant 0 : i32
        %swap3A_344 = arith.index_cast %swap3A_343 : i32 to index
        %swap3A_345 = arith.index_cast %scan3A_299 : i32 to index
        %swap3A_346 = arith.constant 48 : index
        %swap3A_347 = tpu.vector_load %arg8[%swap3A_344, %swap3A_345, %swap3A_346] {strides = array<i32>} : memref<4x50x64xf32, #tpu.memory_space<vmem>>, vector<1x1x16xf32>,
        %swap3A_348 = vector.shape_cast %swap3A_347 : vector<1x1x16xf32> to vector<16xf32>
        %swap3A_349 = vector.shape_cast %get3A_342 : vector<16xf32> to vector<1x1x16xf32>
        tpu.vector_store %arg8[%swap3A_344, %swap3A_345, %swap3A_346], %swap3A_349 {strides = array<i32>} : memref<4x50x64xf32, #tpu.memory_space<vmem>>, vector<1x1x16xf32>,
      }
      %scan3A_277 = arith.constant 50 : i32
      %scan3A_278 = arith.constant 0 : i32
      %scan3A_279 = arith.constant 0 : i32
      %scan3A_280 = arith.constant 50 : i32
      %scan3A_281 = arith.addi %scan3A_279, %scan3A_280 : i32
      %scan3A_282 = arith.constant 1 : i32
      scf.for %scan3A_299 = %scan3A_279 to %scan3A_281 step %scan3A_282  : i32 {
        %get3A = arith.constant 1 : i32
        %get3A_300 = arith.index_cast %get3A : i32 to index
        %get3A_301 = arith.index_cast %scan3A_299 : i32 to index
        %get3A_302 = arith.constant 0 : index
        %get3A_303 = tpu.vector_load %arg7[%get3A_300, %get3A_301, %get3A_302] {strides = array<i32>} : memref<4x50x128xf32, #tpu.memory_space<vmem>>, vector<1x1x16xf32>,
        %get3A_304 = vector.shape_cast %get3A_303 : vector<1x1x16xf32> to vector<16xf32>
        %swap3A = arith.constant 1 : i32
        %swap3A_305 = arith.index_cast %swap3A : i32 to index
        %swap3A_306 = arith.index_cast %scan3A_299 : i32 to index
        %swap3A_307 = arith.constant 0 : index
        %swap3A_308 = tpu.vector_load %arg8[%swap3A_305, %swap3A_306, %swap3A_307] {strides = array<i32>} : memref<4x50x64xf32, #tpu.memory_space<vmem>>, vector<1x1x16xf32>,
        %swap3A_309 = vector.shape_cast %swap3A_308 : vector<1x1x16xf32> to vector<16xf32>
        %swap3A_310 = vector.shape_cast %get3A_304 : vector<16xf32> to vector<1x1x16xf32>
        tpu.vector_store %arg8[%swap3A_305, %swap3A_306, %swap3A_307], %swap3A_310 {strides = array<i32>} : memref<4x50x64xf32, #tpu.memory_space<vmem>>, vector<1x1x16xf32>,
        %get3A_311 = arith.constant 1 : i32
        %get3A_312 = arith.index_cast %get3A_311 : i32 to index
        %get3A_313 = arith.index_cast %scan3A_299 : i32 to index
        %get3A_314 = arith.constant 16 : index
        %get3A_315 = tpu.vector_load %arg7[%get3A_312, %get3A_313, %get3A_314] {strides = array<i32>} : memref<4x50x128xf32, #tpu.memory_space<vmem>>, vector<1x1x16xf32>,
        %get3A_316 = vector.shape_cast %get3A_315 : vector<1x1x16xf32> to vector<16xf32>
        %swap3A_317 = arith.constant 1 : i32
        %swap3A_318 = arith.index_cast %swap3A_317 : i32 to index
        %swap3A_319 = arith.index_cast %scan3A_299 : i32 to index
        %swap3A_320 = arith.constant 16 : index
        %swap3A_321 = tpu.vector_load %arg8[%swap3A_318, %swap3A_319, %swap3A_320] {strides = array<i32>} : memref<4x50x64xf32, #tpu.memory_space<vmem>>, vector<1x1x16xf32>,
        %swap3A_322 = vector.shape_cast %swap3A_321 : vector<1x1x16xf32> to vector<16xf32>
        %swap3A_323 = vector.shape_cast %get3A_316 : vector<16xf32> to vector<1x1x16xf32>
        tpu.vector_store %arg8[%swap3A_318, %swap3A_319, %swap3A_320], %swap3A_323 {strides = array<i32>} : memref<4x50x64xf32, #tpu.memory_space<vmem>>, vector<1x1x16xf32>,
        %get3A_324 = arith.constant 1 : i32
        %get3A_325 = arith.index_cast %get3A_324 : i32 to index
        %get3A_326 = arith.index_cast %scan3A_299 : i32 to index
        %get3A_327 = arith.constant 32 : index
        %get3A_328 = tpu.vector_load %arg7[%get3A_325, %get3A_326, %get3A_327] {strides = array<i32>} : memref<4x50x128xf32, #tpu.memory_space<vmem>>, vector<1x1x16xf32>,
        %get3A_329 = vector.shape_cast %get3A_328 : vector<1x1x16xf32> to vector<16xf32>
        %swap3A_330 = arith.constant 1 : i32
        %swap3A_331 = arith.index_cast %swap3A_330 : i32 to index
        %swap3A_332 = arith.index_cast %scan3A_299 : i32 to index
        %swap3A_333 = arith.constant 32 : index
        %swap3A_334 = tpu.vector_load %arg8[%swap3A_331, %swap3A_332, %swap3A_333] {strides = array<i32>} : memref<4x50x64xf32, #tpu.memory_space<vmem>>, vector<1x1x16xf32>,
        %swap3A_335 = vector.shape_cast %swap3A_334 : vector<1x1x16xf32> to vector<16xf32>
        %swap3A_336 = vector.shape_cast %get3A_329 : vector<16xf32> to vector<1x1x16xf32>
        tpu.vector_store %arg8[%swap3A_331, %swap3A_332, %swap3A_333], %swap3A_336 {strides = array<i32>} : memref<4x50x64xf32, #tpu.memory_space<vmem>>, vector<1x1x16xf32>,
        %get3A_337 = arith.constant 1 : i32
        %get3A_338 = arith.index_cast %get3A_337 : i32 to index
        %get3A_339 = arith.index_cast %scan3A_299 : i32 to index
        %get3A_340 = arith.constant 48 : index
        %get3A_341 = tpu.vector_load %arg7[%get3A_338, %get3A_339, %get3A_340] {strides = array<i32>} : memref<4x50x128xf32, #tpu.memory_space<vmem>>, vector<1x1x16xf32>,
        %get3A_342 = vector.shape_cast %get3A_341 : vector<1x1x16xf32> to vector<16xf32>
        %swap3A_343 = arith.constant 1 : i32
        %swap3A_344 = arith.index_cast %swap3A_343 : i32 to index
        %swap3A_345 = arith.index_cast %scan3A_299 : i32 to index
        %swap3A_346 = arith.constant 48 : index
        %swap3A_347 = tpu.vector_load %arg8[%swap3A_344, %swap3A_345, %swap3A_346] {strides = array<i32>} : memref<4x50x64xf32, #tpu.memory_space<vmem>>, vector<1x1x16xf32>,
        %swap3A_348 = vector.shape_cast %swap3A_347 : vector<1x1x16xf32> to vector<16xf32>
        %swap3A_349 = vector.shape_cast %get3A_342 : vector<16xf32> to vector<1x1x16xf32>
        tpu.vector_store %arg8[%swap3A_344, %swap3A_345, %swap3A_346], %swap3A_349 {strides = array<i32>} : memref<4x50x64xf32, #tpu.memory_space<vmem>>, vector<1x1x16xf32>,
      }
      %scan3A_283 = arith.constant 50 : i32
      %scan3A_284 = arith.constant 0 : i32
      %scan3A_285 = arith.constant 0 : i32
      %scan3A_286 = arith.constant 50 : i32
      %scan3A_287 = arith.addi %scan3A_285, %scan3A_286 : i32
      %scan3A_288 = arith.constant 1 : i32
      scf.for %scan3A_299 = %scan3A_285 to %scan3A_287 step %scan3A_288  : i32 {
        %get3A = arith.constant 2 : i32
        %get3A_300 = arith.index_cast %get3A : i32 to index
        %get3A_301 = arith.index_cast %scan3A_299 : i32 to index
        %get3A_302 = arith.constant 0 : index
        %get3A_303 = tpu.vector_load %arg7[%get3A_300, %get3A_301, %get3A_302] {strides = array<i32>} : memref<4x50x128xf32, #tpu.memory_space<vmem>>, vector<1x1x16xf32>,
        %get3A_304 = vector.shape_cast %get3A_303 : vector<1x1x16xf32> to vector<16xf32>
        %swap3A = arith.constant 2 : i32
        %swap3A_305 = arith.index_cast %swap3A : i32 to index
        %swap3A_306 = arith.index_cast %scan3A_299 : i32 to index
        %swap3A_307 = arith.constant 0 : index
        %swap3A_308 = tpu.vector_load %arg8[%swap3A_305, %swap3A_306, %swap3A_307] {strides = array<i32>} : memref<4x50x64xf32, #tpu.memory_space<vmem>>, vector<1x1x16xf32>,
        %swap3A_309 = vector.shape_cast %swap3A_308 : vector<1x1x16xf32> to vector<16xf32>
        %swap3A_310 = vector.shape_cast %get3A_304 : vector<16xf32> to vector<1x1x16xf32>
        tpu.vector_store %arg8[%swap3A_305, %swap3A_306, %swap3A_307], %swap3A_310 {strides = array<i32>} : memref<4x50x64xf32, #tpu.memory_space<vmem>>, vector<1x1x16xf32>,
        %get3A_311 = arith.constant 2 : i32
        %get3A_312 = arith.index_cast %get3A_311 : i32 to index
        %get3A_313 = arith.index_cast %scan3A_299 : i32 to index
        %get3A_314 = arith.constant 16 : index
        %get3A_315 = tpu.vector_load %arg7[%get3A_312, %get3A_313, %get3A_314] {strides = array<i32>} : memref<4x50x128xf32, #tpu.memory_space<vmem>>, vector<1x1x16xf32>,
        %get3A_316 = vector.shape_cast %get3A_315 : vector<1x1x16xf32> to vector<16xf32>
        %swap3A_317 = arith.constant 2 : i32
        %swap3A_318 = arith.index_cast %swap3A_317 : i32 to index
        %swap3A_319 = arith.index_cast %scan3A_299 : i32 to index
        %swap3A_320 = arith.constant 16 : index
        %swap3A_321 = tpu.vector_load %arg8[%swap3A_318, %swap3A_319, %swap3A_320] {strides = array<i32>} : memref<4x50x64xf32, #tpu.memory_space<vmem>>, vector<1x1x16xf32>,
        %swap3A_322 = vector.shape_cast %swap3A_321 : vector<1x1x16xf32> to vector<16xf32>
        %swap3A_323 = vector.shape_cast %get3A_316 : vector<16xf32> to vector<1x1x16xf32>
        tpu.vector_store %arg8[%swap3A_318, %swap3A_319, %swap3A_320], %swap3A_323 {strides = array<i32>} : memref<4x50x64xf32, #tpu.memory_space<vmem>>, vector<1x1x16xf32>,
        %get3A_324 = arith.constant 2 : i32
        %get3A_325 = arith.index_cast %get3A_324 : i32 to index
        %get3A_326 = arith.index_cast %scan3A_299 : i32 to index
        %get3A_327 = arith.constant 32 : index
        %get3A_328 = tpu.vector_load %arg7[%get3A_325, %get3A_326, %get3A_327] {strides = array<i32>} : memref<4x50x128xf32, #tpu.memory_space<vmem>>, vector<1x1x16xf32>,
        %get3A_329 = vector.shape_cast %get3A_328 : vector<1x1x16xf32> to vector<16xf32>
        %swap3A_330 = arith.constant 2 : i32
        %swap3A_331 = arith.index_cast %swap3A_330 : i32 to index
        %swap3A_332 = arith.index_cast %scan3A_299 : i32 to index
        %swap3A_333 = arith.constant 32 : index
        %swap3A_334 = tpu.vector_load %arg8[%swap3A_331, %swap3A_332, %swap3A_333] {strides = array<i32>} : memref<4x50x64xf32, #tpu.memory_space<vmem>>, vector<1x1x16xf32>,
        %swap3A_335 = vector.shape_cast %swap3A_334 : vector<1x1x16xf32> to vector<16xf32>
        %swap3A_336 = vector.shape_cast %get3A_329 : vector<16xf32> to vector<1x1x16xf32>
        tpu.vector_store %arg8[%swap3A_331, %swap3A_332, %swap3A_333], %swap3A_336 {strides = array<i32>} : memref<4x50x64xf32, #tpu.memory_space<vmem>>, vector<1x1x16xf32>,
        %get3A_337 = arith.constant 2 : i32
        %get3A_338 = arith.index_cast %get3A_337 : i32 to index
        %get3A_339 = arith.index_cast %scan3A_299 : i32 to index
        %get3A_340 = arith.constant 48 : index
        %get3A_341 = tpu.vector_load %arg7[%get3A_338, %get3A_339, %get3A_340] {strides = array<i32>} : memref<4x50x128xf32, #tpu.memory_space<vmem>>, vector<1x1x16xf32>,
        %get3A_342 = vector.shape_cast %get3A_341 : vector<1x1x16xf32> to vector<16xf32>
        %swap3A_343 = arith.constant 2 : i32
        %swap3A_344 = arith.index_cast %swap3A_343 : i32 to index
        %swap3A_345 = arith.index_cast %scan3A_299 : i32 to index
        %swap3A_346 = arith.constant 48 : index
        %swap3A_347 = tpu.vector_load %arg8[%swap3A_344, %swap3A_345, %swap3A_346] {strides = array<i32>} : memref<4x50x64xf32, #tpu.memory_space<vmem>>, vector<1x1x16xf32>,
        %swap3A_348 = vector.shape_cast %swap3A_347 : vector<1x1x16xf32> to vector<16xf32>
        %swap3A_349 = vector.shape_cast %get3A_342 : vector<16xf32> to vector<1x1x16xf32>
        tpu.vector_store %arg8[%swap3A_344, %swap3A_345, %swap3A_346], %swap3A_349 {strides = array<i32>} : memref<4x50x64xf32, #tpu.memory_space<vmem>>, vector<1x1x16xf32>,
      }
      %scan3A_289 = arith.constant 50 : i32
      %scan3A_290 = arith.constant 0 : i32
      %scan3A_291 = arith.constant 0 : i32
      %scan3A_292 = arith.constant 50 : i32
      %scan3A_293 = arith.addi %scan3A_291, %scan3A_292 : i32
      %scan3A_294 = arith.constant 1 : i32
      scf.for %scan3A_299 = %scan3A_291 to %scan3A_293 step %scan3A_294  : i32 {
        %get3A = arith.constant 3 : i32
        %get3A_300 = arith.index_cast %get3A : i32 to index
        %get3A_301 = arith.index_cast %scan3A_299 : i32 to index
        %get3A_302 = arith.constant 0 : index
        %get3A_303 = tpu.vector_load %arg7[%get3A_300, %get3A_301, %get3A_302] {strides = array<i32>} : memref<4x50x128xf32, #tpu.memory_space<vmem>>, vector<1x1x16xf32>,
        %get3A_304 = vector.shape_cast %get3A_303 : vector<1x1x16xf32> to vector<16xf32>
        %swap3A = arith.constant 3 : i32
        %swap3A_305 = arith.index_cast %swap3A : i32 to index
        %swap3A_306 = arith.index_cast %scan3A_299 : i32 to index
        %swap3A_307 = arith.constant 0 : index
        %swap3A_308 = tpu.vector_load %arg8[%swap3A_305, %swap3A_306, %swap3A_307] {strides = array<i32>} : memref<4x50x64xf32, #tpu.memory_space<vmem>>, vector<1x1x16xf32>,
        %swap3A_309 = vector.shape_cast %swap3A_308 : vector<1x1x16xf32> to vector<16xf32>
        %swap3A_310 = vector.shape_cast %get3A_304 : vector<16xf32> to vector<1x1x16xf32>
        tpu.vector_store %arg8[%swap3A_305, %swap3A_306, %swap3A_307], %swap3A_310 {strides = array<i32>} : memref<4x50x64xf32, #tpu.memory_space<vmem>>, vector<1x1x16xf32>,
        %get3A_311 = arith.constant 3 : i32
        %get3A_312 = arith.index_cast %get3A_311 : i32 to index
        %get3A_313 = arith.index_cast %scan3A_299 : i32 to index
        %get3A_314 = arith.constant 16 : index
        %get3A_315 = tpu.vector_load %arg7[%get3A_312, %get3A_313, %get3A_314] {strides = array<i32>} : memref<4x50x128xf32, #tpu.memory_space<vmem>>, vector<1x1x16xf32>,
        %get3A_316 = vector.shape_cast %get3A_315 : vector<1x1x16xf32> to vector<16xf32>
        %swap3A_317 = arith.constant 3 : i32
        %swap3A_318 = arith.index_cast %swap3A_317 : i32 to index
        %swap3A_319 = arith.index_cast %scan3A_299 : i32 to index
        %swap3A_320 = arith.constant 16 : index
        %swap3A_321 = tpu.vector_load %arg8[%swap3A_318, %swap3A_319, %swap3A_320] {strides = array<i32>} : memref<4x50x64xf32, #tpu.memory_space<vmem>>, vector<1x1x16xf32>,
        %swap3A_322 = vector.shape_cast %swap3A_321 : vector<1x1x16xf32> to vector<16xf32>
        %swap3A_323 = vector.shape_cast %get3A_316 : vector<16xf32> to vector<1x1x16xf32>
        tpu.vector_store %arg8[%swap3A_318, %swap3A_319, %swap3A_320], %swap3A_323 {strides = array<i32>} : memref<4x50x64xf32, #tpu.memory_space<vmem>>, vector<1x1x16xf32>,
        %get3A_324 = arith.constant 3 : i32
        %get3A_325 = arith.index_cast %get3A_324 : i32 to index
        %get3A_326 = arith.index_cast %scan3A_299 : i32 to index
        %get3A_327 = arith.constant 32 : index
        %get3A_328 = tpu.vector_load %arg7[%get3A_325, %get3A_326, %get3A_327] {strides = array<i32>} : memref<4x50x128xf32, #tpu.memory_space<vmem>>, vector<1x1x16xf32>,
        %get3A_329 = vector.shape_cast %get3A_328 : vector<1x1x16xf32> to vector<16xf32>
        %swap3A_330 = arith.constant 3 : i32
        %swap3A_331 = arith.index_cast %swap3A_330 : i32 to index
        %swap3A_332 = arith.index_cast %scan3A_299 : i32 to index
        %swap3A_333 = arith.constant 32 : index
        %swap3A_334 = tpu.vector_load %arg8[%swap3A_331, %swap3A_332, %swap3A_333] {strides = array<i32>} : memref<4x50x64xf32, #tpu.memory_space<vmem>>, vector<1x1x16xf32>,
        %swap3A_335 = vector.shape_cast %swap3A_334 : vector<1x1x16xf32> to vector<16xf32>
        %swap3A_336 = vector.shape_cast %get3A_329 : vector<16xf32> to vector<1x1x16xf32>
        tpu.vector_store %arg8[%swap3A_331, %swap3A_332, %swap3A_333], %swap3A_336 {strides = array<i32>} : memref<4x50x64xf32, #tpu.memory_space<vmem>>, vector<1x1x16xf32>,
        %get3A_337 = arith.constant 3 : i32
        %get3A_338 = arith.index_cast %get3A_337 : i32 to index
        %get3A_339 = arith.index_cast %scan3A_299 : i32 to index
        %get3A_340 = arith.constant 48 : index
        %get3A_341 = tpu.vector_load %arg7[%get3A_338, %get3A_339, %get3A_340] {strides = array<i32>} : memref<4x50x128xf32, #tpu.memory_space<vmem>>, vector<1x1x16xf32>,
        %get3A_342 = vector.shape_cast %get3A_341 : vector<1x1x16xf32> to vector<16xf32>
        %swap3A_343 = arith.constant 3 : i32
        %swap3A_344 = arith.index_cast %swap3A_343 : i32 to index
        %swap3A_345 = arith.index_cast %scan3A_299 : i32 to index
        %swap3A_346 = arith.constant 48 : index
        %swap3A_347 = tpu.vector_load %arg8[%swap3A_344, %swap3A_345, %swap3A_346] {strides = array<i32>} : memref<4x50x64xf32, #tpu.memory_space<vmem>>, vector<1x1x16xf32>,
        %swap3A_348 = vector.shape_cast %swap3A_347 : vector<1x1x16xf32> to vector<16xf32>
        %swap3A_349 = vector.shape_cast %get3A_342 : vector<16xf32> to vector<1x1x16xf32>
        tpu.vector_store %arg8[%swap3A_344, %swap3A_345, %swap3A_346], %swap3A_349 {strides = array<i32>} : memref<4x50x64xf32, #tpu.memory_space<vmem>>, vector<1x1x16xf32>,
      }
      %scan3A_295 = arith.constant 50 : i32
      %mul3A_296 = arith.constant 4 : i32
      %mul3A_297 = arith.muli %add3A_211, %mul3A_296 : i32
      %add3A_298 = arith.addi %mul3A_2, %mul3A_297 : i32
      "tpu.region"() ({
        %run_scoped3A = tpu.sem_alloc : memref<!tpu.dma_semaphore, #tpu.memory_space<semaphore_mem>>
        %dma_start3A_299 = arith.constant 0 : i32
        %dma_start3A_300 = arith.constant 0 : i32
        %dma_start3A_301 = tpu.memref_slice %arg4[%add3A_298, %dma_start3A_299, %dma_start3A_300] : memref<4096x50x64xf32, #tpu.memory_space<hbm>> -> memref<4x50x64xf32, #tpu.memory_space<hbm>>
        %dma_start3A_302 = arith.constant 0 : i32
        %dma_start3A_303 = arith.constant 0 : i32
        %dma_start3A_304 = tpu.memref_slice %arg4[%add3A_298, %dma_start3A_302, %dma_start3A_303] : memref<4096x50x64xf32, #tpu.memory_space<hbm>> -> memref<4x50x64xf32, #tpu.memory_space<hbm>>
        tpu.enqueue_dma source(%arg8 : memref<4x50x64xf32, #tpu.memory_space<vmem>>) target(%dma_start3A_304 : memref<4x50x64xf32, #tpu.memory_space<hbm>>) target_semaphore(%run_scoped3A : memref<!tpu.dma_semaphore, #tpu.memory_space<semaphore_mem>>)
        %dma_wait3A_305 = arith.constant 0 : i32
        %dma_wait3A_306 = arith.constant 0 : i32
        %dma_wait3A_307 = tpu.memref_slice %arg4[%add3A_298, %dma_wait3A_305, %dma_wait3A_306] : memref<4096x50x64xf32, #tpu.memory_space<hbm>> -> memref<4x50x64xf32, #tpu.memory_space<hbm>>
        %dma_wait3A_308 = arith.constant 0 : i32
        %dma_wait3A_309 = arith.constant 0 : i32
        %dma_wait3A_310 = tpu.memref_slice %arg4[%add3A_298, %dma_wait3A_308, %dma_wait3A_309] : memref<4096x50x64xf32, #tpu.memory_space<hbm>> -> memref<4x50x64xf32, #tpu.memory_space<hbm>>
        tpu.wait_dma2 semaphore(%run_scoped3A : memref<!tpu.dma_semaphore, #tpu.memory_space<semaphore_mem>>) src(%arg8 : memref<4x50x64xf32, #tpu.memory_space<vmem>>) dst(%dma_wait3A_310 : memref<4x50x64xf32, #tpu.memory_space<hbm>>)
        tpu.yield
      }) : () -> ()
    }
    %scan3A_54 = arith.constant 16 : i32
    return
  }
}

</mosaic_0001>

<sc_bundles>
// kernel: kernel.3.cloned.1.call-start
scs
__scs_entry_jumppad:
0x0: {  	(pc) =	sbr.rel $0x88, $3  }
0x1: {  	(tag) =	ssettag $0x0;
	lr =	simm.s32 $0x1  }
0x2: {  	[smem:$0x3F9F] =	sst lr;
	_ =	strace $0xD0000000  }
0x3: {  	_ = 	snop  }
0x4: {  	_ = 	snop  }
0x5: {  	_ = 	snop  }
0x6: {  	_ = 	snop  }
0x7: {  	_ = 	snop  }
__scs_overlays_trampoline_lowered:
0x8: {  	[smem:$0x3FAE] =	sst s0  }
0x9: {  	[smem:$0x3FAF] =	sst s1  }
0xa: {  	[smem:$0x3FB0] =	sst s2  }
0xb: {  	[smem:$0x3FB1] =	sst s3  }
0xc: {  	[smem:$0x3FB2] =	sst s4  }
0xd: {  	[smem:$0x3FB3] =	sst s5  }
0xe: {  	[smem:$0x3FB4] =	sst s6  }
0xf: {  	[smem:$0x3FB5] =	sst s7  }
0x10: {  	[smem:$0x3FB6] =	sst s8  }
0x11: {  	[smem:$0x3FB7] =	sst s9;
	s0 =	simm.s32 @!p0 $0x0  }
0x12: {  	s1 =	sld [smem:$0x3F9D];
	s0 =	simm.s32 @p0 $0x1  }
0x13: {  	[smem:$0x3FB8] =	sst s0;
	s0 =	simm.s32 @!p1 $0x0  }
0x14: {  	s2 =	sld [smem:$0x3F9C];
	s0 =	simm.s32 @p1 $0x1  }
0x15: {  	[smem:$0x3FB9] =	sst s0;
	s0 =	simm.s32 @!p2 $0x0  }
0x16: {  	s3 =	sld [smem:$0x3FDB];
	s0 =	simm.s32 @p2 $0x1  }
0x17: {  	s4 =	simm.s32 $0x1BF5;
	[smem:$0x3FBB] =	sst s0  }
0x18: {  	s0 =	sld [smem:$0x3F9E];
	_ =	swait.ge [sflag:s4], $0x0  }
0x19: {  	s7 =	sld [smem:$0x3F9F]  }
0x1a: {  	s8 =	sadd.s32 $0xFFFFE003, lr  }
0x1b: {  	s9 =	sadd.s32 $0xFFFFFEF7, lr;
	s5 =	simm.s32 $0xFFFFFFFF;
	p2 =	slt.u32 s8, $0xFFFFF086  }
0x1c: {  	p1 =	slt.u32 s9, $0xF7A;
	s5 =	simm.s32 @!p2 $0x0  }
0x1d: {  	s5 =	simm.s32 @p1 $0x1;
	p0 =	seq.s32 s7, s2  }
0x1e: {  	s7 =	smul.u32 @!p0 $0xF7A, s2;
	p2 =	seq.s32 @!p0 s5, $0x0  }
0x1f: {  	s9 =	smul.u32 $0xF7A, s1;
	s8 =	simm.s32 @!p0 $0x1BF5;
	p2 =	por !p2, p0  }
0x20: {  	[sflag:s8] =	ssyncset.s32 @!p0 $0xFFFFF086;
	s6 =	sadd.s32 @!p0 s3, s7;
	s7 =	simm.s32 @!p0 $0x108  }
0x21: {  	s3 =	sadd.s32 s3, s9;
	s6 =	sadd.s32 @!p0 $0x88, s6;
	s7 =	simm.s32 @p2 $0x1082  }
0x22: {  	[simem:s7], [sflag:s8] =	dma.local @!p0 [hbm:s6], $0xF7A  }
0x23: {  	s9 =	sor.u32 $0xD0000000, s2;
	s6 =	simm.s32 $0x108;
	_ =	swait.ge @!p0 [sflag:s8], $0x0  }
0x24: {  	s3 =	sadd.s32 $0x88, s3;
	s6 =	simm.s32 @!p1 $0x1082;
	[sflag:s4] =	ssyncset.s32 $0xFFFFF086  }
0x25: {  	[simem:s6], [sflag:s4] =	dma.local [hbm:s3], $0xF7A  }
0x26: {  	[smem:$0x3F9F] =	sst s1;
	(tag) =	ssettag s2;
	_ =	strace s9  }
0x27: {  	s1 =	sld [smem:$0x3FAF]  }
0x28: {  	s2 =	sld [smem:$0x3FB0]  }
0x29: {  	s4 =	sld [smem:$0x3FB2]  }
0x2a: {  	p0 =	seq.s32 s5, $0x0;
	s5 =	sld [smem:$0x3FB3]  }
0x2b: {  	s6 =	sld [smem:$0x3FB4]  }
0x2c: {  	s7 =	sld [smem:$0x3FB5]  }
0x2d: {  	s3 =	simm.s32 $0x108;
	s8 =	sld [smem:$0x3FB6]  }
0x2e: {  	s3 =	simm.s32 @!p0 $0x1082;
	s9 =	sld [smem:$0x3FB7]  }
0x2f: {  	lr =	sadd.s32 s0, s3;
	s0 =	sld [smem:$0x3FAE]  }
0x30: {  	s3 =	sld [smem:$0x3FB1]  }
0x31: {  	[smem:$0x3FBA] =	sst s10  }
0x32: {  	s10 =	sld [smem:$0x3FB8];
	_ =	sdelay $0x3  }
0x33: {  	p0 =	seq.s32 s10, $0x1;
	s10 =	sld [smem:$0x3FBA];
	_ =	sdelay $0x3  }
0x34: {  	[smem:$0x3FBA] =	sst s10  }
0x35: {  	s10 =	sld [smem:$0x3FB9];
	_ =	sdelay $0x3  }
0x36: {  	p1 =	seq.s32 s10, $0x1;
	s10 =	sld [smem:$0x3FBA];
	_ =	sdelay $0x3  }
0x37: {  	[smem:$0x3FBA] =	sst s10  }
0x38: {  	s10 =	sld [smem:$0x3FBB]  }
0x39: {  	_ = 	snop;
	(pc) =	sbr.ind lr, $3  }
0x3a: {  	_ = 	snop  }
0x3b: {  	_ = 	snop  }
0x3c: {  	p2 =	seq.s32 s10, $0x1;
	s10 =	sld [smem:$0x3FBA]  }
0x3d: {  	_ =	shalt  }
0x3e: {  	_ =	shalt  }
0x3f: {  	_ =	shalt  }
0x40: {  	_ =	shalt  }
0x41: {  	_ =	shalt  }
0x42: {  	_ =	shalt  }
0x43: {  	_ =	shalt  }
0x44: {  	_ =	shalt  }
0x45: {  	_ =	shalt  }
0x46: {  	_ =	shalt  }
0x47: {  	_ =	shalt  }
0x48: {  	_ =	shalt  }
0x49: {  	_ =	shalt  }
0x4a: {  	_ =	shalt  }
0x4b: {  	_ =	shalt  }
0x4c: {  	_ =	shalt  }
0x4d: {  	_ =	shalt  }
0x4e: {  	_ =	shalt  }
0x4f: {  	_ =	shalt  }
0x50: {  	_ =	shalt  }
0x51: {  	_ =	shalt  }
0x52: {  	_ =	shalt  }
0x53: {  	_ =	shalt  }
0x54: {  	_ =	shalt  }
0x55: {  	_ =	shalt  }
0x56: {  	_ =	shalt  }
0x57: {  	_ =	shalt  }
0x58: {  	_ =	shalt  }
0x59: {  	_ =	shalt  }
0x5a: {  	_ =	shalt  }
0x5b: {  	_ =	shalt  }
0x5c: {  	_ =	shalt  }
0x5d: {  	_ =	shalt  }
0x5e: {  	_ =	shalt  }
0x5f: {  	_ =	shalt  }
0x60: {  	_ =	shalt  }
0x61: {  	_ =	shalt  }
0x62: {  	_ =	shalt  }
0x63: {  	_ =	shalt  }
0x64: {  	_ =	shalt  }
0x65: {  	_ =	shalt  }
0x66: {  	_ =	shalt  }
0x67: {  	_ =	shalt  }
0x68: {  	_ =	shalt  }
0x69: {  	_ =	shalt  }
0x6a: {  	_ =	shalt  }
0x6b: {  	_ =	shalt  }
0x6c: {  	_ =	shalt  }
0x6d: {  	_ =	shalt  }
0x6e: {  	_ =	shalt  }
0x6f: {  	_ =	shalt  }
0x70: {  	_ =	shalt  }
0x71: {  	_ =	shalt  }
0x72: {  	_ =	shalt  }
0x73: {  	_ =	shalt  }
0x74: {  	_ =	shalt  }
0x75: {  	_ =	shalt  }
0x76: {  	_ =	shalt  }
0x77: {  	_ =	shalt  }
0x78: {  	_ =	shalt  }
0x79: {  	_ =	shalt  }
0x7a: {  	_ =	shalt  }
0x7b: {  	_ =	shalt  }
0x7c: {  	_ =	shalt  }
0x7d: {  	_ =	shalt  }
0x7e: {  	_ =	shalt  }
0x7f: {  	_ =	shalt  }
0x80: {  	_ =	shalt  }
0x81: {  	_ =	shalt  }
0x82: {  	_ =	shalt  }
0x83: {  	_ =	shalt  }
0x84: {  	_ =	shalt  }
0x85: {  	_ =	shalt  }
0x86: {  	_ =	shalt  }
0x87: {  	_ =	shalt  }
.Lfunc_end0:
.L_simem_size_0:
called_computation_lowered:
.L_overlay_start_0:
0x88: {  	s2 =	sld [smem:$0x3FD9]  }
0x89: {  	s3 =	sld [smem:$0x3FFE];
	_ =	sdelay $0x1  }
0x8a: {  	s1 =	srdreg.scid  }
0x8b: {  	s0 =	sand.u32 $0x1, s1  }
0x8c: {  	s17 =	sshll.u32 s0, $0xA;
	s2 =	sadd.s32 s3, s2  }
0x8d: {  	s2 =	sadd.s32 s2, s17  }
0x8e: {  	[smem:$0x3FC6] =	sst s2  }
0x8f: {  	_ = 	snop  }
0x90: {  	s2 =	sld [smem:$0x3FD0];
	(tm) =	ssettm $0x1  }
0x91: {  	s18 =	sld [smem:$0x3FFB];
	_ =	sdelay $0x3  }
0x92: {  	_ =	strace s18  }
0x93: {  	s3 =	sld [smem:$0x3FFC];
	_ =	sdelay $0x3  }
0x94: {  	_ =	strace s3  }
0x95: {  	s3 =	sld [smem:$0x3FFD];
	_ =	sdelay $0x3  }
0x96: {  	_ =	strace s3  }
0x97: {  	_ =	strace $0x8FFFFFFF  }
0x98: {  	s19 =	sld [smem:$0x3FDB];
	_ =	sdelay $0x1  }
0x99: {  	s4 =	simm.s32 $_scs_section_size  }
0x9a: {  	s5 =	simm.s32 $_size__tile_overlayer_lowered;
	s6 =	simm.s32 $_tile_overlayer_lowered  }
0x9b: {  	s22 =	simm.s32 $0x1BFF;
	s21 =	sshll.u32 s6, $0x1;
	s3 =	sadd.s32 s4, s19  }
0x9c: {  	s7 =	simm.s32 $0x0;
	s20 =	sshll.u32 s5, $0x1;
	s5 =	sadd.s32 s21, s3  }
0x9d: {  	[timem:s7], [sflag:s22] =	dma.local [hbm:s5], s20  }
0x9e: {  	_ =	swait.ge [sflag:s22], s20  }
0x9f: {  	s4 =	ssub.s32 $0x0, s20;
	[sflag:s22] =	ssyncset.done $0x0  }
0xa0: {  	[sflag:s22] =	ssyncadd.s32 s4;
	_ =	sdelay $0x1  }
0xa1: {  	s23 =	simm.s32 $0x1B8B  }
0xa2: {  	_ =	swait.ge [sflag:s23], $0x1  }
0xa3: {  	[sflag:s23] =	ssyncset.done $0x0  }
0xa4: {  	s25 =	simm.s32 $0x1B8E;
	s24 =	sld [smem:$0x3FFE];
	[sflag:s23] =	ssyncadd.s32 $0xFFFFFFFF  }
0xa5: {  	s26 =	simm.s32 $execute0_lowered;
	[smem:$0x3FD2] =	sst s25  }
0xa6: {  	s5 =	sshll.u32 s26, $0x1;
	_ =	strace $0x80000046;
	[dreg:$0x1] =	wrdreg $0xFFFFFFFF  }
0xa7: {  	s28 =	simm.s32 $_size_execute0_lowered;
	s3 =	sadd.s32 s3, s5;
	[dreg:$0x0] =	wrdreg $0x0  }
0xa8: {  	s5 =	sshll.u32 s28, $0x1;
	[dreg:$0x2] =	wrdreg s3  }
0xa9: {  	[dreg:$0x3] =	wrdreg s5  }
0xaa: {  	[dreg:$0x4] =	wrdreg $0xC0  }
0xab: {  	_ =	task [dreg:s7], $0x5FFFF  }
0xac: {  	[dreg:$0x1] =	wrdreg $0xFFFFFFFF  }
0xad: {  	[dreg:$0x0] =	wrdreg $0x60  }
0xae: {  	[dreg:$0x2] =	wrdreg s24  }
0xaf: {  	[dreg:$0x3] =	wrdreg s2  }
0xb0: {  	[dreg:$0x4] =	wrdreg $0x9  }
0xb1: {  	_ =	task.clear_ibuf [dreg:s7], $0x5FFFF;
	_ =	strace $0x90000046  }
0xb2: {  	s29 =	simm.s32 $0x9;
	_ =	strace $0x80000048  }
0xb3: {  	_ =	swait.ge [sflag:s29], $0x1  }
0xb4: {  	[sflag:s29] =	ssyncadd.s32 $0xFFFFFFFF  }
0xb5: {  	_ =	strace $0x90000048  }
0xb6: {  	_ =	sfence  }
0xb7: {  	s30 =	sld [smem:$0x0];
	_ =	sdelay $0x2  }
0xb8: {  	s31 =	sshll.u32 s1, $0xD;
	s1 =	sshrl.u32 s1, $0x2  }
0xb9: {  	s3 =	sand.u32 $0x4000, s31;
	s1 =	sadd.s32 s1, s30  }
0xba: {  	s0 =	sor.u32 s3, s0;
	s1 =	sshll.u32 s1, $0x11  }
0xbb: {  	s0 =	sor.u32 s1, s0  }
0xbc: {  	s0 =	sadd.s32 $0x8F2B, s0  }
0xbd: {  	[sflag:s0] =	ssyncadd.remote.s32 $0x1  }
0xbe: {  	_ =	sfence.sel $0xFFFF  }
0xbf: {  	[dreg:$0x0] =	wrdreg $0xFFFFFFFF;
	(pc) =	sbr.abs _section_cstart, $3  }
0xc0: {  	[dreg:$0x1] =	wrdreg $0xFFFFFFFF  }
0xc1: {  	_ =	task.clear_ibuf [dreg:s7], $0x2FFFF;
	_ =	strace $0x9FFFFFFF  }
0xc2: {  	(tm) =	ssettm $0x7FFFFFFF  }
0xc3: {  	_ =	shalt  }
tec
execute0_lowered:
.L_overlay_start_1:
0x0: {  	(tag) =	ssettag $0x1  }
0x1: {  	s0 =	rddreg [dreg:$0x0]  }
0x2: {  	s1 =	rddreg [dreg:$0x1];
	s3 =	srdreg.scid  }
0x3: {  	s2 =	simm.s32 $0x0;
	s4 =	stileid.u32;
	s9 =	simm.s32 $0x32  }
0x4: {  	s13 =	simm.s32 $0x100;
	s14 =	simm.s32 $0x7800;
	s15 =	simm.s32 $0x180  }
0x5: {  	s16 =	simm.s32 $0x9400;
	s17 =	simm.s32 $0xB000;
	s18 =	simm.s32 $0xCC00  }
0x6: {  	s19 =	simm.s32 $0xE800;
	s20 =	simm.s32 $0x10400;
	s21 =	simm.s32 $0x1  }
0x7: {  	s22 =	simm.s32 $0x12000;
	s23 =	simm.s32 $0x13C00;
	s24 =	simm.s32 $0x15800  }
0x8: {  	s25 =	simm.s32 $0x17400;
	s26 =	simm.s32 $0x2;
	s28 =	simm.s32 $0x0  }
0x9: {  	s3 =	sand.u32 $0x1, s3;
	[smem:$0x7FF] =	sst s2;
	s4 =	sshll.u32 s4, $0x8  }
0xa: {  	s5 =	sshll.u32 s3, $0x7;
	_ =	strace $0x80000047;
	s6 =	ssub.s32 $0x2, s3  }
0xb: {  	s3 =	sor.u32 s5, s4;
	s4 =	sadd.s32 $0xF42A00, s0;
	s7 =	sshrl.u32 s6, $0x1  }
0xc: {  	s5 =	sadd.s32 $0x600, s0;
	s8 =	sshll.u32 s3, $0x4;
	s31 =	ssub.s32 s6, s7  }
0xd: {  	s6 =	sadd.s32 s1, s8;
	s7 =	smax.u32 s31, $0x1;
	s8 =	simm.s32 $0x3  }
.LBB2_1:
0xe: {  	[tilespmem:s2], [sflag:$0x3] =	stream.linear.gather [hbm4b:s6+s2], $0x4000, $0x38;
	[tilespmem:$0x19000] =	vst v63  }
0xf: {  	_ =	swait.ge [sflag:s8], $0x4000  }
0x10: {  	[sflag:s8] =	ssyncset.done $0x0  }
0x11: {  	s0 =	simm.s32 $0x4000;
	[sflag:s8] =	ssyncadd.s32 $0xFFFFC000  }
0x12: {  	[tilespmem:s0], [sflag:$0x1] =	stream.indirect.gather [hbm4b:s4+s9], $0x80, s2, s9, $0xb8;
	[tilespmem:$0x19000] =	vst v63  }
0x13: {  	s31 =	simm.s32 $0x80;
	s1 =	simm.s32 $0x5C00  }
0x14: {  	[tilespmem:s1], [sflag:$0x1] =	stream.indirect.gather [hbm4b:s4+s9], $0x80, s31, s9, $0xb8;
	[tilespmem:$0x19000] =	vst v63  }
0x15: {  	_ = 	snop  }
0x16: {  	[tilespmem:s14], [sflag:$0x1] =	stream.indirect.gather [hbm4b:s4+s9], $0x80, s13, s9, $0xb8;
	[tilespmem:$0x19000] =	vst v63  }
0x17: {  	s29 =	simm.s32 $0x0  }
0x18: {  	[tilespmem:s16], [sflag:$0x1] =	stream.indirect.gather [hbm4b:s4+s9], $0x80, s15, s9, $0xb8;
	[tilespmem:$0x19000] =	vst v63  }
.LBB2_2:
0x19: {  	s0 =	sshll.u32 s29, $0x3  }
0x1a: {  	s30 =	sor.u32 $0x4, s0  }
0x1b: {  	s10 =	sshll.u32 s29, $0xA;
	s1 =	sshll.u32 s30, $0x7  }
0x1c: {  	s31 =	sand.u32 $0x3FFFFC00, s10;
	s1 =	sand.u32 $0x3FFFFE00, s1  }
0x1d: {  	[tilespmem:s17], [sflag:$0x2] =	stream.indirect.gather [hbm4b:s4+s9], $0x80, s1, s9, $0xb8;
	[tilespmem:$0x19000] =	vst v63  }
0x1e: {  	s1 =	sor.u32 $0x280, s31  }
0x1f: {  	[tilespmem:s18], [sflag:$0x2] =	stream.indirect.gather [hbm4b:s4+s9], $0x80, s1, s9, $0xb8;
	[tilespmem:$0x19000] =	vst v63  }
0x20: {  	s11 =	sor.u32 $0x300, s31  }
0x21: {  	[tilespmem:s19], [sflag:$0x2] =	stream.indirect.gather [hbm4b:s4+s9], $0x80, s11, s9, $0xb8;
	[tilespmem:$0x19000] =	vst v63  }
0x22: {  	s12 =	sor.u32 $0x380, s31  }
0x23: {  	[tilespmem:s20], [sflag:$0x2] =	stream.indirect.gather [hbm4b:s4+s9], $0x80, s12, s9, $0xb8;
	[tilespmem:$0x19000] =	vst v63  }
0x24: {  	_ =	swait.ge [sflag:s21], $0x1900  }
0x25: {  	[sflag:s21] =	ssyncset.done $0x0  }
0x26: {  	[sflag:s21] =	ssyncadd.s32 $0xFFFFE700  }
0x27: {  	_ =	swait.ge [sflag:s21], $0x1900  }
0x28: {  	[sflag:s21] =	ssyncset.done $0x0  }
0x29: {  	[sflag:s21] =	ssyncadd.s32 $0xFFFFE700  }
0x2a: {  	_ =	swait.ge [sflag:s21], $0x1900  }
0x2b: {  	[sflag:s21] =	ssyncset.done $0x0  }
0x2c: {  	[sflag:s21] =	ssyncadd.s32 $0xFFFFE700  }
0x2d: {  	_ =	swait.ge [sflag:s21], $0x1900  }
0x2e: {  	[sflag:s21] =	ssyncset.done $0x0  }
0x2f: {  	s1 =	simm.s32 $0x0;
	[sflag:s21] =	ssyncadd.s32 $0xFFFFE700  }
0x30: {  	v0 =	vld [tilespmem:s1+$0x4030]  }
0x31: {  	v1 =	vld [tilespmem:s1+$0x4000]  }
0x32: {  	v2 =	vld [tilespmem:s1+$0x4010]  }
0x33: {  	s10 =	simm.s32 $0x0;
	s11 =	simm.s32 $0x200;
	v3 =	vld [tilespmem:s1+$0x4020]  }
.LBB2_3:
0x34: {  	p0 =	sne.s32 s11, $0x6200  }
.Ltmp0:
0x35: {  	s12 =	sshra.s32 s11, $0x2;
	s11 =	sadd.s32 $0x200, s11;
	[tilespmem:s10+$0x12030] =	vst v0;
	(pc) =	sbr.rel @p0 .LBB2_3-.Ltmp0, $4  }
0x36: {  	v0 =	vld [tilespmem:s12+$0x4030];
	[tilespmem:s10+$0x12000] =	vst v1  }
0x37: {  	v1 =	vld [tilespmem:s12+$0x4000];
	[tilespmem:s10+$0x12010] =	vst v2  }
0x38: {  	v2 =	vld [tilespmem:s12+$0x4010];
	[tilespmem:s10+$0x12020] =	vst v3;
	s10 =	smov.u32 s12  }
0x39: {  	v3 =	vld [tilespmem:s10+$0x4020]  }
0x3a: {  	_ = 	snop  }
0x3b: {  	[tilespmem:s10+$0x12030] =	vst v0  }
0x3c: {  	[tilespmem:s10+$0x12000] =	vst v1  }
0x3d: {  	[tilespmem:s10+$0x12010] =	vst v2  }
0x3e: {  	[tilespmem:s10+$0x12020] =	vst v3  }
0x3f: {  	v0 =	vld [tilespmem:s1+$0x5C30]  }
0x40: {  	v1 =	vld [tilespmem:s1+$0x5C00]  }
0x41: {  	v2 =	vld [tilespmem:s1+$0x5C10]  }
0x42: {  	v3 =	vld [tilespmem:s1+$0x5C20]  }
0x43: {  	s10 =	simm.s32 $0x200  }
.LBB2_5:
0x44: {  	s11 =	sshra.s32 s10, $0x2;
	p0 =	sne.s32 s10, $0x6200;
	s10 =	sadd.s32 $0x200, s10;
	[tilespmem:s1+$0x13C30] =	vst v0  }
.Ltmp1:
0x45: {  	v0 =	vld [tilespmem:s11+$0x5C30];
	[tilespmem:s1+$0x13C00] =	vst v1;
	(pc) =	sbr.rel @p0 .LBB2_5-.Ltmp1, $3  }
0x46: {  	v1 =	vld [tilespmem:s11+$0x5C00];
	[tilespmem:s1+$0x13C10] =	vst v2  }
0x47: {  	v2 =	vld [tilespmem:s11+$0x5C10];
	[tilespmem:s1+$0x13C20] =	vst v3;
	s1 =	smov.u32 s11  }
0x48: {  	v3 =	vld [tilespmem:s1+$0x5C20];
	_ =	sdelay $0x1  }
0x49: {  	[tilespmem:s1+$0x13C30] =	vst v0  }
0x4a: {  	[tilespmem:s1+$0x13C00] =	vst v1  }
0x4b: {  	[tilespmem:s1+$0x13C10] =	vst v2  }
0x4c: {  	[tilespmem:s1+$0x13C20] =	vst v3;
	s1 =	simm.s32 $0x0  }
0x4d: {  	v0 =	vld [tilespmem:s1+$0x7830]  }
0x4e: {  	v1 =	vld [tilespmem:s1+$0x7800]  }
0x4f: {  	v2 =	vld [tilespmem:s1+$0x7810]  }
0x50: {  	s11 =	simm.s32 $0x200;
	s10 =	simm.s32 $0x0;
	v3 =	vld [tilespmem:s1+$0x7820]  }
.LBB2_7:
0x51: {  	p0 =	sne.s32 s11, $0x6200  }
.Ltmp2:
0x52: {  	s12 =	sshra.s32 s11, $0x2;
	s11 =	sadd.s32 $0x200, s11;
	[tilespmem:s10+$0x15830] =	vst v0;
	(pc) =	sbr.rel @p0 .LBB2_7-.Ltmp2, $4  }
0x53: {  	v0 =	vld [tilespmem:s12+$0x7830];
	[tilespmem:s10+$0x15800] =	vst v1  }
0x54: {  	v1 =	vld [tilespmem:s12+$0x7800];
	[tilespmem:s10+$0x15810] =	vst v2  }
0x55: {  	v2 =	vld [tilespmem:s12+$0x7810];
	[tilespmem:s10+$0x15820] =	vst v3;
	s10 =	smov.u32 s12  }
0x56: {  	v3 =	vld [tilespmem:s10+$0x7820]  }
0x57: {  	_ = 	snop  }
0x58: {  	[tilespmem:s10+$0x15830] =	vst v0  }
0x59: {  	[tilespmem:s10+$0x15800] =	vst v1  }
0x5a: {  	[tilespmem:s10+$0x15810] =	vst v2  }
0x5b: {  	[tilespmem:s10+$0x15820] =	vst v3  }
0x5c: {  	v2 =	vld [tilespmem:s1+$0x9430]  }
0x5d: {  	v1 =	vld [tilespmem:s1+$0x9400]  }
0x5e: {  	v0 =	vld [tilespmem:s1+$0x9410]  }
0x5f: {  	s10 =	simm.s32 $0x200;
	v3 =	vld [tilespmem:s1+$0x9420]  }
.LBB2_9:
0x60: {  	p0 =	sne.s32 s10, $0x6200  }
.Ltmp3:
0x61: {  	s11 =	sshra.s32 s10, $0x2;
	s10 =	sadd.s32 $0x200, s10;
	[tilespmem:s1+$0x17430] =	vst v2;
	(pc) =	sbr.rel @p0 .LBB2_9-.Ltmp3, $4  }
0x62: {  	v2 =	vld [tilespmem:s11+$0x9430];
	[tilespmem:s1+$0x17400] =	vst v1  }
0x63: {  	v1 =	vld [tilespmem:s11+$0x9400];
	[tilespmem:s1+$0x17410] =	vst v0  }
0x64: {  	v0 =	vld [tilespmem:s11+$0x9410];
	[tilespmem:s1+$0x17420] =	vst v3;
	s1 =	smov.u32 s11  }
0x65: {  	v3 =	vld [tilespmem:s1+$0x9420]  }
0x66: {  	_ = 	snop  }
0x67: {  	s0 =	sadd.s32 s3, s0;
	[tilespmem:s1+$0x17430] =	vst v2  }
0x68: {  	s0 =	smul.u32 $0x380, s0;
	[tilespmem:s1+$0x17400] =	vst v1  }
0x69: {  	[tilespmem:s1+$0x17410] =	vst v0  }
0x6a: {  	s0 =	sadd.s32 s5, s0;
	[tilespmem:s1+$0x17420] =	vst v3  }
0x6b: {  	[hbm4b:s0+s2] =	stream.linear.scatter [tilespmem:s22], [sflag:$0x3], $0x1900, $0x38;
	[tilespmem:$0x19000] =	vst v63  }
0x6c: {  	s11 =	sadd.s32 $0x380, s0  }
0x6d: {  	[hbm4b:s11+s2] =	stream.linear.scatter [tilespmem:s23], [sflag:$0x3], $0x1900, $0x38;
	[tilespmem:$0x19000] =	vst v63  }
0x6e: {  	s12 =	sadd.s32 $0x700, s0  }
0x6f: {  	[hbm4b:s12+s2] =	stream.linear.scatter [tilespmem:s24], [sflag:$0x3], $0x1900, $0x38;
	[tilespmem:$0x19000] =	vst v63  }
0x70: {  	s0 =	sadd.s32 $0xA80, s0  }
0x71: {  	[hbm4b:s0+s2] =	stream.linear.scatter [tilespmem:s25], [sflag:$0x3], $0x1900, $0x38;
	[tilespmem:$0x19000] =	vst v63  }
0x72: {  	p0 =	seq.s32 s29, $0xF;
	_ =	swait.ge [sflag:s8], $0x6400  }
0x73: {  	s10 =	simm.s32 @!p0 $0x4000;
	[sflag:s8] =	ssyncset.done $0x0  }
0x74: {  	s1 =	simm.s32 @!p0 $0x32;
	s0 =	sadd.s32 @!p0 $0x400, s31;
	[sflag:s8] =	ssyncadd.s32 $0xFFFF9C00  }
0x75: {  	[tilespmem:s10], [sflag:$0x1] =	stream.indirect.gather @!p0 [hbm4b:s4+s1], $0x80, s0, s1, $0xb8;
	[tilespmem:$0x19000] =	vst v63  }
0x76: {  	s0 =	sadd.s32 @!p0 $0x480, s31;
	s10 =	simm.s32 @!p0 $0x5C00  }
0x77: {  	[tilespmem:s10], [sflag:$0x1] =	stream.indirect.gather @!p0 [hbm4b:s4+s1], $0x80, s0, s1, $0xb8;
	[tilespmem:$0x19000] =	vst v63  }
0x78: {  	s0 =	sadd.s32 @!p0 $0x500, s31;
	s10 =	simm.s32 @!p0 $0x7800  }
0x79: {  	[tilespmem:s10], [sflag:$0x1] =	stream.indirect.gather @!p0 [hbm4b:s4+s1], $0x80, s0, s1, $0xb8;
	[tilespmem:$0x19000] =	vst v63  }
0x7a: {  	s0 =	sadd.s32 @!p0 $0x580, s31;
	s10 =	simm.s32 @!p0 $0x9400  }
0x7b: {  	[tilespmem:s10], [sflag:$0x1] =	stream.indirect.gather @!p0 [hbm4b:s4+s1], $0x80, s0, s1, $0xb8;
	[tilespmem:$0x19000] =	vst v63  }
0x7c: {  	_ =	swait.ge [sflag:s26], $0x1900  }
0x7d: {  	[sflag:s26] =	ssyncset.done $0x0  }
0x7e: {  	[sflag:s26] =	ssyncadd.s32 $0xFFFFE700  }
0x7f: {  	_ =	swait.ge [sflag:s26], $0x1900  }
0x80: {  	[sflag:s26] =	ssyncset.done $0x0  }
0x81: {  	[sflag:s26] =	ssyncadd.s32 $0xFFFFE700  }
0x82: {  	_ =	swait.ge [sflag:s26], $0x1900  }
0x83: {  	[sflag:s26] =	ssyncset.done $0x0  }
0x84: {  	[sflag:s26] =	ssyncadd.s32 $0xFFFFE700  }
0x85: {  	_ =	swait.ge [sflag:s26], $0x1900  }
0x86: {  	[sflag:s26] =	ssyncset.done $0x0  }
0x87: {  	s0 =	simm.s32 $0x0;
	[sflag:s26] =	ssyncadd.s32 $0xFFFFE700  }
0x88: {  	v0 =	vld [tilespmem:s0+$0xB030]  }
0x89: {  	v1 =	vld [tilespmem:s0+$0xB000]  }
0x8a: {  	v2 =	vld [tilespmem:s0+$0xB010]  }
0x8b: {  	s10 =	simm.s32 $0x200;
	s1 =	simm.s32 $0x0;
	v3 =	vld [tilespmem:s0+$0xB020]  }
.LBB2_11:
0x8c: {  	p0 =	sne.s32 s10, $0x6200  }
.Ltmp4:
0x8d: {  	s11 =	sshra.s32 s10, $0x2;
	s10 =	sadd.s32 $0x200, s10;
	[tilespmem:s1+$0x12030] =	vst v0;
	(pc) =	sbr.rel @p0 .LBB2_11-.Ltmp4, $4  }
0x8e: {  	v0 =	vld [tilespmem:s11+$0xB030];
	[tilespmem:s1+$0x12000] =	vst v1  }
0x8f: {  	v1 =	vld [tilespmem:s11+$0xB000];
	[tilespmem:s1+$0x12010] =	vst v2  }
0x90: {  	v2 =	vld [tilespmem:s11+$0xB010];
	[tilespmem:s1+$0x12020] =	vst v3;
	s1 =	smov.u32 s11  }
0x91: {  	v3 =	vld [tilespmem:s1+$0xB020]  }
0x92: {  	_ = 	snop  }
0x93: {  	[tilespmem:s1+$0x12030] =	vst v0  }
0x94: {  	[tilespmem:s1+$0x12000] =	vst v1  }
0x95: {  	[tilespmem:s1+$0x12010] =	vst v2  }
0x96: {  	[tilespmem:s1+$0x12020] =	vst v3  }
0x97: {  	v0 =	vld [tilespmem:s0+$0xCC30]  }
0x98: {  	v1 =	vld [tilespmem:s0+$0xCC00]  }
0x99: {  	v2 =	vld [tilespmem:s0+$0xCC10]  }
0x9a: {  	v3 =	vld [tilespmem:s0+$0xCC20]  }
0x9b: {  	s1 =	simm.s32 $0x200  }
.LBB2_13:
0x9c: {  	s10 =	sshra.s32 s1, $0x2;
	p0 =	sne.s32 s1, $0x6200;
	s1 =	sadd.s32 $0x200, s1;
	[tilespmem:s0+$0x13C30] =	vst v0  }
.Ltmp5:
0x9d: {  	v0 =	vld [tilespmem:s10+$0xCC30];
	[tilespmem:s0+$0x13C00] =	vst v1;
	(pc) =	sbr.rel @p0 .LBB2_13-.Ltmp5, $3  }
0x9e: {  	v1 =	vld [tilespmem:s10+$0xCC00];
	[tilespmem:s0+$0x13C10] =	vst v2  }
0x9f: {  	v2 =	vld [tilespmem:s10+$0xCC10];
	[tilespmem:s0+$0x13C20] =	vst v3;
	s0 =	smov.u32 s10  }
0xa0: {  	v3 =	vld [tilespmem:s0+$0xCC20];
	_ =	sdelay $0x1  }
0xa1: {  	[tilespmem:s0+$0x13C30] =	vst v0  }
0xa2: {  	[tilespmem:s0+$0x13C00] =	vst v1  }
0xa3: {  	[tilespmem:s0+$0x13C10] =	vst v2  }
0xa4: {  	[tilespmem:s0+$0x13C20] =	vst v3;
	s0 =	simm.s32 $0x0  }
0xa5: {  	v0 =	vld [tilespmem:s0+$0xE830]  }
0xa6: {  	v1 =	vld [tilespmem:s0+$0xE800]  }
0xa7: {  	v2 =	vld [tilespmem:s0+$0xE810]  }
0xa8: {  	s10 =	simm.s32 $0x200;
	s1 =	simm.s32 $0x0;
	v3 =	vld [tilespmem:s0+$0xE820]  }
.LBB2_15:
0xa9: {  	p0 =	sne.s32 s10, $0x6200  }
.Ltmp6:
0xaa: {  	s11 =	sshra.s32 s10, $0x2;
	s10 =	sadd.s32 $0x200, s10;
	[tilespmem:s1+$0x15830] =	vst v0;
	(pc) =	sbr.rel @p0 .LBB2_15-.Ltmp6, $4  }
0xab: {  	v0 =	vld [tilespmem:s11+$0xE830];
	[tilespmem:s1+$0x15800] =	vst v1  }
0xac: {  	v1 =	vld [tilespmem:s11+$0xE800];
	[tilespmem:s1+$0x15810] =	vst v2  }
0xad: {  	v2 =	vld [tilespmem:s11+$0xE810];
	[tilespmem:s1+$0x15820] =	vst v3;
	s1 =	smov.u32 s11  }
0xae: {  	v3 =	vld [tilespmem:s1+$0xE820]  }
0xaf: {  	_ = 	snop  }
0xb0: {  	[tilespmem:s1+$0x15830] =	vst v0  }
0xb1: {  	[tilespmem:s1+$0x15800] =	vst v1  }
0xb2: {  	[tilespmem:s1+$0x15810] =	vst v2  }
0xb3: {  	[tilespmem:s1+$0x15820] =	vst v3  }
0xb4: {  	v2 =	vld [tilespmem:s0+$0x10430]  }
0xb5: {  	v1 =	vld [tilespmem:s0+$0x10400]  }
0xb6: {  	v0 =	vld [tilespmem:s0+$0x10410]  }
0xb7: {  	s1 =	simm.s32 $0x200;
	v3 =	vld [tilespmem:s0+$0x10420]  }
.LBB2_17:
0xb8: {  	p0 =	sne.s32 s1, $0x6200  }
.Ltmp7:
0xb9: {  	s10 =	sshra.s32 s1, $0x2;
	s1 =	sadd.s32 $0x200, s1;
	[tilespmem:s0+$0x17430] =	vst v2;
	(pc) =	sbr.rel @p0 .LBB2_17-.Ltmp7, $4  }
0xba: {  	v2 =	vld [tilespmem:s10+$0x10430];
	[tilespmem:s0+$0x17400] =	vst v1  }
0xbb: {  	v1 =	vld [tilespmem:s10+$0x10400];
	[tilespmem:s0+$0x17410] =	vst v0  }
0xbc: {  	v0 =	vld [tilespmem:s10+$0x10410];
	[tilespmem:s0+$0x17420] =	vst v3;
	s0 =	smov.u32 s10  }
0xbd: {  	v3 =	vld [tilespmem:s0+$0x10420]  }
0xbe: {  	_ = 	snop  }
0xbf: {  	s1 =	sadd.s32 s3, s30;
	[tilespmem:s0+$0x17430] =	vst v2  }
0xc0: {  	s1 =	smul.u32 $0x380, s1;
	[tilespmem:s0+$0x17400] =	vst v1  }
0xc1: {  	[tilespmem:s0+$0x17410] =	vst v0  }
0xc2: {  	s30 =	sadd.s32 s5, s1;
	[tilespmem:s0+$0x17420] =	vst v3  }
0xc3: {  	[hbm4b:s30+s2] =	stream.linear.scatter [tilespmem:s22], [sflag:$0x3], $0x1900, $0x38;
	[tilespmem:$0x19000] =	vst v63  }
0xc4: {  	s29 =	sadd.s32 $0x1, s29;
	s1 =	sadd.s32 $0x380, s30  }
0xc5: {  	[hbm4b:s1+s2] =	stream.linear.scatter [tilespmem:s23], [sflag:$0x3], $0x1900, $0x38;
	[tilespmem:$0x19000] =	vst v63  }
0xc6: {  	p0 =	sne.s32 s29, $0x10;
	s31 =	sadd.s32 $0x700, s30  }
0xc7: {  	[hbm4b:s31+s2] =	stream.linear.scatter [tilespmem:s24], [sflag:$0x3], $0x1900, $0x38;
	[tilespmem:$0x19000] =	vst v63  }
.Ltmp8:
0xc8: {  	s0 =	sadd.s32 $0xA80, s30;
	(pc) =	sbr.rel @p0 .LBB2_2-.Ltmp8, $4  }
0xc9: {  	[hbm4b:s0+s2] =	stream.linear.scatter [tilespmem:s25], [sflag:$0x3], $0x1900, $0x38;
	[tilespmem:$0x19000] =	vst v63  }
0xca: {  	_ =	swait.ge [sflag:s8], $0x6400  }
0xcb: {  	[sflag:s8] =	ssyncset.done $0x0  }
0xcc: {  	[sflag:s8] =	ssyncadd.s32 $0xFFFF9C00  }
0xcd: {  	s28 =	sadd.s32 $0x1, s28  }
0xce: {  	p0 =	sne.s32 s28, s7  }
.Ltmp9:
0xcf: {  	_ = 	snop;
	(pc) =	sbr.rel @p0 .LBB2_1-.Ltmp9, $1  }
0xd0: {  	_ =	sdelay $0x3  }
0xd1: {  	_ =	sfence.sel $0x180000  }
0xd2: {  	[bflag:$0x0] =	sbarrier.arrive $0xFFFF  }
0xd3: {  	_ =	strace $0x90000047  }
0xd4: {  	s0 =	stileid.u32;
	[bflag:$0x2] =	sbarrier.arrive $0xFFFF  }
0xd5: {  	p0 =	sne.s32 s0, $0x0;
	s0 =	rddreg [dreg:$0x2]  }
0xd6: {  	s0 =	sadd.s32 @!p0 $0x100000, s0  }
0xd7: {  	[sflag:s0] =	ssyncadd.tile.s32 @!p0 $0x1;
	_ =	shalt  }
.Lfunc_end2:
_tile_overlayer_lowered:
.L_overlay_start_2:
0xd8: {  	(tag) =	ssettag $0x2  }
0xd9: {  	s0 =	rddreg [dreg:$0x0];
	s2 =	stileid.u32  }
0xda: {  	s1 =	rddreg [dreg:$0x1];
	p0 =	sne.s32 s2, $0x0  }
0xdb: {  	s3 =	rddreg [dreg:$0x2];
	[bflag:$0x3] =	sbarrier.arrive $0xFFFF;
	s2 =	simm.s32 @!p0 $0x1C03  }
0xdc: {  	[timem:s3], [sflag:s2] =	dma.local @!p0 [hbm:s0], s1  }
0xdd: {  	s0 =	simm.s32 @!p0 $0x3  }
0xde: {  	_ =	swait.ge @!p0 [sflag:s0], s1  }
0xdf: {  	s1 =	ssub.s32 @!p0 $0x0, s1;
	[sflag:s0] =	ssyncset.done @!p0 $0x0  }
0xe0: {  	[sflag:s0] =	ssyncadd.s32 @!p0 s1  }
0xe1: {  	[bflag:$0x3] =	sbarrier.arrive $0xFFFF  }
0xe2: {  	_ =	shalt  }

</sc_bundles>
